<compile_context>
chip_gen: v7x
topology: tpu7x:2x2x1
jax: 0.10.2.dev20260603
libtpu: 0.0.44.dev20260713+nightly
codegen_flags: <defaults>
</compile_context>

<pallas_src>
import functools

import jax
import jax.numpy as jnp
from jax import lax
from jax.experimental import pallas as pl
from jax.experimental.pallas import tpu as pltpu
from jax.experimental.pallas import tpu_sc as plsc

_EMBED = 64
_NW = 32
_GRP = 2
_NCK = 4


@functools.cache
def _build(batch, hist):
    b_per_w = batch // _NW
    ngroups = b_per_w // _GRP
    chunk = _GRP * hist // _NCK
    assert chunk <= 128 and ngroups % 2 == 0
    nidx = b_per_w * hist // chunk
    mesh = plsc.VectorSubcoreMesh(core_axis_name="c", subcore_axis_name="s")

    @functools.partial(
        pl.kernel,
        mesh=mesh,
        compiler_params=pltpu.CompilerParams(use_tc_tiling_on_sc=False),
        out_type=jax.ShapeDtypeStruct((batch, hist, _EMBED), jnp.float32),
        scratch_types=[
            pltpu.VMEM((nidx, chunk), jnp.int32),
            pltpu.VMEM((_GRP, hist, _EMBED), jnp.float32),
            pltpu.VMEM((_GRP, hist, _EMBED), jnp.float32),
            pltpu.SemaphoreType.DMA,
            pltpu.SemaphoreType.DMA,
            pltpu.SemaphoreType.DMA,
            pltpu.SemaphoreType.DMA,
        ],
    )
    def gather_kernel(idx_hbm, table_hbm, out_hbm, idx_v, buf_a, buf_b,
                      sem_ga, sem_gb, sem_wa, sem_wb):
        wid = lax.axis_index("s") * 2 + lax.axis_index("c")
        bbase = wid * b_per_w
        pltpu.sync_copy(idx_hbm.at[wid], idx_v)

        def chunk_copies(g, buf, sem):
            for c in range(_NCK):
                flat = c * chunk
                dst = buf.at[flat // hist, pl.ds(flat % hist, chunk)]
                yield table_hbm.at[idx_v.at[g * _NCK + c]], dst, sem

        def start_gathers(g, buf, sem):
            for src, dst, s in chunk_copies(g, buf, sem):
                pltpu.async_copy(src, dst, s)

        def wait_gathers(g, buf, sem):
            for src, dst, s in chunk_copies(g, buf, sem):
                pltpu.make_async_copy(src, dst, s).wait()

        def out_slice(g):
            return out_hbm.at[pl.ds(bbase + g * _GRP, _GRP)]

        start_gathers(0, buf_a, sem_ga)

        def body(i, carry):
            ga = 2 * i
            gb = 2 * i + 1

            wait_gathers(ga, buf_a, sem_ga)

            @pl.when(i > 0)
            def _():
                pltpu.make_async_copy(buf_b, out_slice(gb - 2), sem_wb).wait()

            start_gathers(gb, buf_b, sem_gb)
            pltpu.async_copy(buf_a, out_slice(ga), sem_wa)

            wait_gathers(gb, buf_b, sem_gb)
            pltpu.make_async_copy(buf_a, out_slice(ga), sem_wa).wait()

            @pl.when(ga + 2 < ngroups)
            def _():
                start_gathers(ga + 2, buf_a, sem_ga)

            pltpu.async_copy(buf_b, out_slice(gb), sem_wb)
            return carry

        lax.fori_loop(0, ngroups // 2, body, 0)
        pltpu.make_async_copy(buf_b, out_slice(ngroups - 1), sem_wb).wait()

    return gather_kernel


def kernel(x, position_embedding_table):
    b, h = x.shape
    chunk = _GRP * h // _NCK
    idx = x.astype(jnp.int32).reshape(_NW, b * h // (_NW * chunk), chunk)
    fn = _build(b, h)
    return fn(idx, position_embedding_table)

# --- scband reference (transcript-rebuilt; emitter-appended) ---
"""Pipeline reference for scband-position-embedding1-d-43327630082763 (READ-ONLY COPY).

The authoritative reference and input builder live on the scoring server;
editing this copy changes nothing except your own understanding.
"""

import jax, jax.numpy as jnp
import numpy as np

X_SIZE = 100000
EMBED_DIM = 64
BATCH = 4096
HIST = 200

def setup_inputs(seed: int = 0) -> dict:
    key = jax.random.key(seed)
    k_idx, k_tab = jax.random.split(key)
    x = jax.random.randint(k_idx, (BATCH, HIST), 0, X_SIZE, dtype=jnp.int64 if jax.config.read('jax_enable_x64') else jnp.int32)
    # trunc_normal_(std=0.02) approximated with normal std=0.02 clipped to 2 std
    table = jnp.clip(jax.random.normal(k_tab, (X_SIZE, EMBED_DIM), dtype=jnp.float32), -2.0, 2.0) * 0.02
    return {"x": x, "position_embedding_table": table}

def reference(x, position_embedding_table):
    # static table lookup: embedding = table[x.long()]
    embedding = jnp.take(position_embedding_table, x.astype(jnp.int32), axis=0)
    return embedding

if __name__ == "__main__":
    import jax
    _d = setup_inputs()
    print(jax.jit(kernel)(*tuple(_d.values())))

</pallas_src>

<mosaic_0001>
#map = affine_map<(d0, d1) -> (0, 0, 0)>
#map1 = affine_map<(d0, d1) -> (0, 0)>
module attributes {stable_mosaic.version = 14 : i64} {
  func.func @gather_kernel(%arg0: i32, %arg1: i32, %arg2: memref<32x256x100xi32, #tpu.memory_space<hbm>>, %arg3: memref<100000x64xf32, #tpu.memory_space<hbm>>, %arg4: memref<4096x200x64xf32, #tpu.memory_space<hbm>>, %arg5: memref<256x100xi32, #tpu.memory_space<vmem>>, %arg6: memref<2x200x64xf32, #tpu.memory_space<vmem>>, %arg7: memref<2x200x64xf32, #tpu.memory_space<vmem>>, %arg8: memref<!tpu.dma_semaphore, #tpu.memory_space<semaphore_mem>>, %arg9: memref<!tpu.dma_semaphore, #tpu.memory_space<semaphore_mem>>, %arg10: memref<!tpu.dma_semaphore, #tpu.memory_space<semaphore_mem>>, %arg11: memref<!tpu.dma_semaphore, #tpu.memory_space<semaphore_mem>>) attributes {dimension_semantics = [#tpu.dimension_semantics<core_parallel>, #tpu.dimension_semantics<subcore_parallel>], iteration_bounds = array<i64: 2, 16>, scalar_prefetch = 0 : i64, scratch_operands = 7 : i64, tpu.core_type = #tpu.core_type<sc_vector_subcore>, window_params = [{transform_indices = #map}, {transform_indices = #map1}, {transform_indices = #map}]} {
    %mul3A = arith.constant 2 : i32
    %mul3A_0 = arith.muli %arg1, %mul3A : i32
    %add3A = arith.addi %mul3A_0, %arg0 : i32
    %mul3A_1 = arith.constant 128 : i32
    %mul3A_2 = arith.muli %add3A, %mul3A_1 : i32
    "tpu.region"() ({
      %run_scoped3A = tpu.sem_alloc : memref<!tpu.dma_semaphore, #tpu.memory_space<semaphore_mem>>
      %dma_start3A_62 = arith.constant 0 : i32
      %dma_start3A_63 = arith.constant 0 : i32
      %dma_start3A_64 = tpu.memref_slice %arg2[%add3A, %dma_start3A_62, %dma_start3A_63] : memref<32x256x100xi32, #tpu.memory_space<hbm>> -> memref<1x256x100xi32, #tpu.memory_space<hbm>>
      %dma_start3A_65 = tpu.memref_squeeze %dma_start3A_64 : memref<1x256x100xi32, #tpu.memory_space<hbm>> -> memref<256x100xi32, #tpu.memory_space<hbm>>
      %dma_start3A_66 = arith.constant 0 : i32
      %dma_start3A_67 = arith.constant 0 : i32
      %dma_start3A_68 = tpu.memref_slice %arg2[%add3A, %dma_start3A_66, %dma_start3A_67] : memref<32x256x100xi32, #tpu.memory_space<hbm>> -> memref<1x256x100xi32, #tpu.memory_space<hbm>>
      %dma_start3A_69 = tpu.memref_squeeze %dma_start3A_68 : memref<1x256x100xi32, #tpu.memory_space<hbm>> -> memref<256x100xi32, #tpu.memory_space<hbm>>
      tpu.enqueue_dma source(%dma_start3A_69 : memref<256x100xi32, #tpu.memory_space<hbm>>) target(%arg5 : memref<256x100xi32, #tpu.memory_space<vmem>>) target_semaphore(%run_scoped3A : memref<!tpu.dma_semaphore, #tpu.memory_space<semaphore_mem>>)
      %dma_wait3A_70 = arith.constant 0 : i32
      %dma_wait3A_71 = arith.constant 0 : i32
      %dma_wait3A_72 = tpu.memref_slice %arg2[%add3A, %dma_wait3A_70, %dma_wait3A_71] : memref<32x256x100xi32, #tpu.memory_space<hbm>> -> memref<1x256x100xi32, #tpu.memory_space<hbm>>
      %dma_wait3A_73 = tpu.memref_squeeze %dma_wait3A_72 : memref<1x256x100xi32, #tpu.memory_space<hbm>> -> memref<256x100xi32, #tpu.memory_space<hbm>>
      %dma_wait3A_74 = arith.constant 0 : i32
      %dma_wait3A_75 = arith.constant 0 : i32
      %dma_wait3A_76 = tpu.memref_slice %arg2[%add3A, %dma_wait3A_74, %dma_wait3A_75] : memref<32x256x100xi32, #tpu.memory_space<hbm>> -> memref<1x256x100xi32, #tpu.memory_space<hbm>>
      %dma_wait3A_77 = tpu.memref_squeeze %dma_wait3A_76 : memref<1x256x100xi32, #tpu.memory_space<hbm>> -> memref<256x100xi32, #tpu.memory_space<hbm>>
      tpu.wait_dma2 semaphore(%run_scoped3A : memref<!tpu.dma_semaphore, #tpu.memory_space<semaphore_mem>>) src(%dma_wait3A_77 : memref<256x100xi32, #tpu.memory_space<hbm>>) dst(%arg5 : memref<256x100xi32, #tpu.memory_space<vmem>>)
      tpu.yield
    }) : () -> ()
    %dma_start3A = arith.constant 0 : i32
    %dma_start3A_3 = arith.constant 0 : i32
    %dma_start3A_4 = arith.constant 0 : i32
    %dma_start3A_5 = arith.constant 0 : i32
    %dma_start3A_6 = tpu.memref_slice %arg6[%dma_start3A_3, %dma_start3A_4, %dma_start3A_5] : memref<2x200x64xf32, #tpu.memory_space<vmem>> -> memref<1x100x64xf32, #tpu.memory_space<vmem>>
    %dma_start3A_7 = tpu.memref_squeeze %dma_start3A_6 : memref<1x100x64xf32, #tpu.memory_space<vmem>> -> memref<100x64xf32, #tpu.memory_space<vmem>>
    %dma_start3A_8 = arith.constant 0 : i32
    %dma_start3A_9 = tpu.memref_slice %arg5[%dma_start3A, %dma_start3A_8] : memref<256x100xi32, #tpu.memory_space<vmem>> -> memref<1x100xi32, #tpu.memory_space<vmem>>
    %dma_start3A_10 = tpu.memref_squeeze %dma_start3A_9 : memref<1x100xi32, #tpu.memory_space<vmem>> -> memref<100xi32, #tpu.memory_space<vmem>>
    %dma_start3A_11 = arith.constant 0 : i32
    %dma_start3A_12 = arith.constant 0 : i32
    %dma_start3A_13 = tpu.memref_slice %arg3[%dma_start3A_11, %dma_start3A_12] : memref<100000x64xf32, #tpu.memory_space<hbm>> -> memref<100000x64xf32, #tpu.memory_space<hbm>>
    tpu.enqueue_indirect_dma source(%dma_start3A_13 : memref<100000x64xf32, #tpu.memory_space<hbm>>) target(%dma_start3A_7 : memref<100x64xf32, #tpu.memory_space<vmem>>) offsets(%dma_start3A_10 : memref<100xi32, #tpu.memory_space<vmem>>) semaphore(%arg8 : memref<!tpu.dma_semaphore, #tpu.memory_space<semaphore_mem>>)
    %dma_start3A_14 = arith.constant 1 : i32
    %dma_start3A_15 = arith.constant 0 : i32
    %dma_start3A_16 = arith.constant 100 : i32
    %dma_start3A_17 = arith.constant 0 : i32
    %dma_start3A_18 = tpu.memref_slice %arg6[%dma_start3A_15, %dma_start3A_16, %dma_start3A_17] : memref<2x200x64xf32, #tpu.memory_space<vmem>> -> memref<1x100x64xf32, #tpu.memory_space<vmem>>
    %dma_start3A_19 = tpu.memref_squeeze %dma_start3A_18 : memref<1x100x64xf32, #tpu.memory_space<vmem>> -> memref<100x64xf32, #tpu.memory_space<vmem>>
    %dma_start3A_20 = arith.constant 0 : i32
    %dma_start3A_21 = tpu.memref_slice %arg5[%dma_start3A_14, %dma_start3A_20] : memref<256x100xi32, #tpu.memory_space<vmem>> -> memref<1x100xi32, #tpu.memory_space<vmem>>
    %dma_start3A_22 = tpu.memref_squeeze %dma_start3A_21 : memref<1x100xi32, #tpu.memory_space<vmem>> -> memref<100xi32, #tpu.memory_space<vmem>>
    %dma_start3A_23 = arith.constant 0 : i32
    %dma_start3A_24 = arith.constant 0 : i32
    %dma_start3A_25 = tpu.memref_slice %arg3[%dma_start3A_23, %dma_start3A_24] : memref<100000x64xf32, #tpu.memory_space<hbm>> -> memref<100000x64xf32, #tpu.memory_space<hbm>>
    tpu.enqueue_indirect_dma source(%dma_start3A_25 : memref<100000x64xf32, #tpu.memory_space<hbm>>) target(%dma_start3A_19 : memref<100x64xf32, #tpu.memory_space<vmem>>) offsets(%dma_start3A_22 : memref<100xi32, #tpu.memory_space<vmem>>) semaphore(%arg8 : memref<!tpu.dma_semaphore, #tpu.memory_space<semaphore_mem>>)
    %dma_start3A_26 = arith.constant 2 : i32
    %dma_start3A_27 = arith.constant 1 : i32
    %dma_start3A_28 = arith.constant 0 : i32
    %dma_start3A_29 = arith.constant 0 : i32
    %dma_start3A_30 = tpu.memref_slice %arg6[%dma_start3A_27, %dma_start3A_28, %dma_start3A_29] : memref<2x200x64xf32, #tpu.memory_space<vmem>> -> memref<1x100x64xf32, #tpu.memory_space<vmem>>
    %dma_start3A_31 = tpu.memref_squeeze %dma_start3A_30 : memref<1x100x64xf32, #tpu.memory_space<vmem>> -> memref<100x64xf32, #tpu.memory_space<vmem>>
    %dma_start3A_32 = arith.constant 0 : i32
    %dma_start3A_33 = tpu.memref_slice %arg5[%dma_start3A_26, %dma_start3A_32] : memref<256x100xi32, #tpu.memory_space<vmem>> -> memref<1x100xi32, #tpu.memory_space<vmem>>
    %dma_start3A_34 = tpu.memref_squeeze %dma_start3A_33 : memref<1x100xi32, #tpu.memory_space<vmem>> -> memref<100xi32, #tpu.memory_space<vmem>>
    %dma_start3A_35 = arith.constant 0 : i32
    %dma_start3A_36 = arith.constant 0 : i32
    %dma_start3A_37 = tpu.memref_slice %arg3[%dma_start3A_35, %dma_start3A_36] : memref<100000x64xf32, #tpu.memory_space<hbm>> -> memref<100000x64xf32, #tpu.memory_space<hbm>>
    tpu.enqueue_indirect_dma source(%dma_start3A_37 : memref<100000x64xf32, #tpu.memory_space<hbm>>) target(%dma_start3A_31 : memref<100x64xf32, #tpu.memory_space<vmem>>) offsets(%dma_start3A_34 : memref<100xi32, #tpu.memory_space<vmem>>) semaphore(%arg8 : memref<!tpu.dma_semaphore, #tpu.memory_space<semaphore_mem>>)
    %dma_start3A_38 = arith.constant 3 : i32
    %dma_start3A_39 = arith.constant 1 : i32
    %dma_start3A_40 = arith.constant 100 : i32
    %dma_start3A_41 = arith.constant 0 : i32
    %dma_start3A_42 = tpu.memref_slice %arg6[%dma_start3A_39, %dma_start3A_40, %dma_start3A_41] : memref<2x200x64xf32, #tpu.memory_space<vmem>> -> memref<1x100x64xf32, #tpu.memory_space<vmem>>
    %dma_start3A_43 = tpu.memref_squeeze %dma_start3A_42 : memref<1x100x64xf32, #tpu.memory_space<vmem>> -> memref<100x64xf32, #tpu.memory_space<vmem>>
    %dma_start3A_44 = arith.constant 0 : i32
    %dma_start3A_45 = tpu.memref_slice %arg5[%dma_start3A_38, %dma_start3A_44] : memref<256x100xi32, #tpu.memory_space<vmem>> -> memref<1x100xi32, #tpu.memory_space<vmem>>
    %dma_start3A_46 = tpu.memref_squeeze %dma_start3A_45 : memref<1x100xi32, #tpu.memory_space<vmem>> -> memref<100xi32, #tpu.memory_space<vmem>>
    %dma_start3A_47 = arith.constant 0 : i32
    %dma_start3A_48 = arith.constant 0 : i32
    %dma_start3A_49 = tpu.memref_slice %arg3[%dma_start3A_47, %dma_start3A_48] : memref<100000x64xf32, #tpu.memory_space<hbm>> -> memref<100000x64xf32, #tpu.memory_space<hbm>>
    tpu.enqueue_indirect_dma source(%dma_start3A_49 : memref<100000x64xf32, #tpu.memory_space<hbm>>) target(%dma_start3A_43 : memref<100x64xf32, #tpu.memory_space<vmem>>) offsets(%dma_start3A_46 : memref<100xi32, #tpu.memory_space<vmem>>) semaphore(%arg8 : memref<!tpu.dma_semaphore, #tpu.memory_space<semaphore_mem>>)
    %scan3A = arith.constant 0 : i32
    %scan3A_50 = arith.constant 0 : i32
    %scan3A_51 = arith.constant 32 : i32
    %scan3A_52 = arith.addi %scan3A_50, %scan3A_51 : i32
    %scan3A_53 = arith.constant 1 : i32
    scf.for %scan3A_62 = %scan3A_50 to %scan3A_52 step %scan3A_53  : i32 {
      %mul3A_63 = arith.constant 2 : i32
      %mul3A_64 = arith.muli %mul3A_63, %scan3A_62 : i32
      %mul3A_65 = arith.constant 2 : i32
      %mul3A_66 = arith.muli %mul3A_65, %scan3A_62 : i32
      %add3A_67 = arith.constant 1 : i32
      %add3A_68 = arith.addi %mul3A_66, %add3A_67 : i32
      %mul3A_69 = arith.constant 4 : i32
      %mul3A_70 = arith.muli %mul3A_64, %mul3A_69 : i32
      %add3A_71 = arith.constant 0 : i32
      %add3A_72 = arith.addi %mul3A_70, %add3A_71 : i32
      %dma_wait3A_73 = arith.constant 0 : i32
      %dma_wait3A_74 = arith.constant 0 : i32
      %dma_wait3A_75 = arith.constant 0 : i32
      %dma_wait3A_76 = tpu.memref_slice %arg6[%dma_wait3A_73, %dma_wait3A_74, %dma_wait3A_75] : memref<2x200x64xf32, #tpu.memory_space<vmem>> -> memref<1x100x64xf32, #tpu.memory_space<vmem>>
      %dma_wait3A_77 = tpu.memref_squeeze %dma_wait3A_76 : memref<1x100x64xf32, #tpu.memory_space<vmem>> -> memref<100x64xf32, #tpu.memory_space<vmem>>
      %dma_wait3A_78 = arith.constant 0 : i32
      %dma_wait3A_79 = tpu.memref_slice %arg5[%add3A_72, %dma_wait3A_78] : memref<256x100xi32, #tpu.memory_space<vmem>> -> memref<1x100xi32, #tpu.memory_space<vmem>>
      %dma_wait3A_80 = tpu.memref_squeeze %dma_wait3A_79 : memref<1x100xi32, #tpu.memory_space<vmem>> -> memref<100xi32, #tpu.memory_space<vmem>>
      %dma_wait3A_81 = arith.constant 0 : i32
      %dma_wait3A_82 = arith.constant 0 : i32
      %dma_wait3A_83 = tpu.memref_slice %arg3[%dma_wait3A_81, %dma_wait3A_82] : memref<100000x64xf32, #tpu.memory_space<hbm>> -> memref<100000x64xf32, #tpu.memory_space<hbm>>
      tpu.wait_indirect_dma semaphore(%arg8 : memref<!tpu.dma_semaphore, #tpu.memory_space<semaphore_mem>>) src(%dma_wait3A_83 : memref<100000x64xf32, #tpu.memory_space<hbm>>) dst(%dma_wait3A_77 : memref<100x64xf32, #tpu.memory_space<vmem>>)
      %mul3A_84 = arith.constant 4 : i32
      %mul3A_85 = arith.muli %mul3A_64, %mul3A_84 : i32
      %add3A_86 = arith.constant 1 : i32
      %add3A_87 = arith.addi %mul3A_85, %add3A_86 : i32
      %dma_wait3A_88 = arith.constant 0 : i32
      %dma_wait3A_89 = arith.constant 100 : i32
      %dma_wait3A_90 = arith.constant 0 : i32
      %dma_wait3A_91 = tpu.memref_slice %arg6[%dma_wait3A_88, %dma_wait3A_89, %dma_wait3A_90] : memref<2x200x64xf32, #tpu.memory_space<vmem>> -> memref<1x100x64xf32, #tpu.memory_space<vmem>>
      %dma_wait3A_92 = tpu.memref_squeeze %dma_wait3A_91 : memref<1x100x64xf32, #tpu.memory_space<vmem>> -> memref<100x64xf32, #tpu.memory_space<vmem>>
      %dma_wait3A_93 = arith.constant 0 : i32
      %dma_wait3A_94 = tpu.memref_slice %arg5[%add3A_87, %dma_wait3A_93] : memref<256x100xi32, #tpu.memory_space<vmem>> -> memref<1x100xi32, #tpu.memory_space<vmem>>
      %dma_wait3A_95 = tpu.memref_squeeze %dma_wait3A_94 : memref<1x100xi32, #tpu.memory_space<vmem>> -> memref<100xi32, #tpu.memory_space<vmem>>
      %dma_wait3A_96 = arith.constant 0 : i32
      %dma_wait3A_97 = arith.constant 0 : i32
      %dma_wait3A_98 = tpu.memref_slice %arg3[%dma_wait3A_96, %dma_wait3A_97] : memref<100000x64xf32, #tpu.memory_space<hbm>> -> memref<100000x64xf32, #tpu.memory_space<hbm>>
      tpu.wait_indirect_dma semaphore(%arg8 : memref<!tpu.dma_semaphore, #tpu.memory_space<semaphore_mem>>) src(%dma_wait3A_98 : memref<100000x64xf32, #tpu.memory_space<hbm>>) dst(%dma_wait3A_92 : memref<100x64xf32, #tpu.memory_space<vmem>>)
      %mul3A_99 = arith.constant 4 : i32
      %mul3A_100 = arith.muli %mul3A_64, %mul3A_99 : i32
      %add3A_101 = arith.constant 2 : i32
      %add3A_102 = arith.addi %mul3A_100, %add3A_101 : i32
      %dma_wait3A_103 = arith.constant 1 : i32
      %dma_wait3A_104 = arith.constant 0 : i32
      %dma_wait3A_105 = arith.constant 0 : i32
      %dma_wait3A_106 = tpu.memref_slice %arg6[%dma_wait3A_103, %dma_wait3A_104, %dma_wait3A_105] : memref<2x200x64xf32, #tpu.memory_space<vmem>> -> memref<1x100x64xf32, #tpu.memory_space<vmem>>
      %dma_wait3A_107 = tpu.memref_squeeze %dma_wait3A_106 : memref<1x100x64xf32, #tpu.memory_space<vmem>> -> memref<100x64xf32, #tpu.memory_space<vmem>>
      %dma_wait3A_108 = arith.constant 0 : i32
      %dma_wait3A_109 = tpu.memref_slice %arg5[%add3A_102, %dma_wait3A_108] : memref<256x100xi32, #tpu.memory_space<vmem>> -> memref<1x100xi32, #tpu.memory_space<vmem>>
      %dma_wait3A_110 = tpu.memref_squeeze %dma_wait3A_109 : memref<1x100xi32, #tpu.memory_space<vmem>> -> memref<100xi32, #tpu.memory_space<vmem>>
      %dma_wait3A_111 = arith.constant 0 : i32
      %dma_wait3A_112 = arith.constant 0 : i32
      %dma_wait3A_113 = tpu.memref_slice %arg3[%dma_wait3A_111, %dma_wait3A_112] : memref<100000x64xf32, #tpu.memory_space<hbm>> -> memref<100000x64xf32, #tpu.memory_space<hbm>>
      tpu.wait_indirect_dma semaphore(%arg8 : memref<!tpu.dma_semaphore, #tpu.memory_space<semaphore_mem>>) src(%dma_wait3A_113 : memref<100000x64xf32, #tpu.memory_space<hbm>>) dst(%dma_wait3A_107 : memref<100x64xf32, #tpu.memory_space<vmem>>)
      %mul3A_114 = arith.constant 4 : i32
      %mul3A_115 = arith.muli %mul3A_64, %mul3A_114 : i32
      %add3A_116 = arith.constant 3 : i32
      %add3A_117 = arith.addi %mul3A_115, %add3A_116 : i32
      %dma_wait3A_118 = arith.constant 1 : i32
      %dma_wait3A_119 = arith.constant 100 : i32
      %dma_wait3A_120 = arith.constant 0 : i32
      %dma_wait3A_121 = tpu.memref_slice %arg6[%dma_wait3A_118, %dma_wait3A_119, %dma_wait3A_120] : memref<2x200x64xf32, #tpu.memory_space<vmem>> -> memref<1x100x64xf32, #tpu.memory_space<vmem>>
      %dma_wait3A_122 = tpu.memref_squeeze %dma_wait3A_121 : memref<1x100x64xf32, #tpu.memory_space<vmem>> -> memref<100x64xf32, #tpu.memory_space<vmem>>
      %dma_wait3A_123 = arith.constant 0 : i32
      %dma_wait3A_124 = tpu.memref_slice %arg5[%add3A_117, %dma_wait3A_123] : memref<256x100xi32, #tpu.memory_space<vmem>> -> memref<1x100xi32, #tpu.memory_space<vmem>>
      %dma_wait3A_125 = tpu.memref_squeeze %dma_wait3A_124 : memref<1x100xi32, #tpu.memory_space<vmem>> -> memref<100xi32, #tpu.memory_space<vmem>>
      %dma_wait3A_126 = arith.constant 0 : i32
      %dma_wait3A_127 = arith.constant 0 : i32
      %dma_wait3A_128 = tpu.memref_slice %arg3[%dma_wait3A_126, %dma_wait3A_127] : memref<100000x64xf32, #tpu.memory_space<hbm>> -> memref<100000x64xf32, #tpu.memory_space<hbm>>
      tpu.wait_indirect_dma semaphore(%arg8 : memref<!tpu.dma_semaphore, #tpu.memory_space<semaphore_mem>>) src(%dma_wait3A_128 : memref<100000x64xf32, #tpu.memory_space<hbm>>) dst(%dma_wait3A_122 : memref<100x64xf32, #tpu.memory_space<vmem>>)
      %gt3A = arith.constant 0 : i32
      %gt3A_129 = arith.cmpi sgt, %scan3A_62, %gt3A : i32
      %convert_element_type3A = arith.extui %gt3A_129 : i1 to i32
      %cond3A = arith.constant 0 : i32
      %cond3A_130 = arith.cmpi ne, %convert_element_type3A, %cond3A : i32
      scf.if %cond3A_130 {
        %sub3A = arith.constant 2 : i32
        %sub3A_284 = arith.subi %add3A_68, %sub3A : i32
        %mul3A_285 = arith.constant 2 : i32
        %mul3A_286 = arith.muli %sub3A_284, %mul3A_285 : i32
        %add3A_287 = arith.addi %mul3A_2, %mul3A_286 : i32
        %dma_wait3A_288 = arith.constant 0 : i32
        %dma_wait3A_289 = arith.constant 0 : i32
        %dma_wait3A_290 = tpu.memref_slice %arg4[%add3A_287, %dma_wait3A_288, %dma_wait3A_289] : memref<4096x200x64xf32, #tpu.memory_space<hbm>> -> memref<2x200x64xf32, #tpu.memory_space<hbm>>
        %dma_wait3A_291 = arith.constant 0 : i32
        %dma_wait3A_292 = arith.constant 0 : i32
        %dma_wait3A_293 = tpu.memref_slice %arg4[%add3A_287, %dma_wait3A_291, %dma_wait3A_292] : memref<4096x200x64xf32, #tpu.memory_space<hbm>> -> memref<2x200x64xf32, #tpu.memory_space<hbm>>
        tpu.wait_dma2 semaphore(%arg11 : memref<!tpu.dma_semaphore, #tpu.memory_space<semaphore_mem>>) src(%arg7 : memref<2x200x64xf32, #tpu.memory_space<vmem>>) dst(%dma_wait3A_293 : memref<2x200x64xf32, #tpu.memory_space<hbm>>)
      } else {
      }
      %mul3A_131 = arith.constant 4 : i32
      %mul3A_132 = arith.muli %add3A_68, %mul3A_131 : i32
      %add3A_133 = arith.constant 0 : i32
      %add3A_134 = arith.addi %mul3A_132, %add3A_133 : i32
      %dma_start3A_135 = arith.constant 0 : i32
      %dma_start3A_136 = arith.constant 0 : i32
      %dma_start3A_137 = arith.constant 0 : i32
      %dma_start3A_138 = tpu.memref_slice %arg7[%dma_start3A_135, %dma_start3A_136, %dma_start3A_137] : memref<2x200x64xf32, #tpu.memory_space<vmem>> -> memref<1x100x64xf32, #tpu.memory_space<vmem>>
      %dma_start3A_139 = tpu.memref_squeeze %dma_start3A_138 : memref<1x100x64xf32, #tpu.memory_space<vmem>> -> memref<100x64xf32, #tpu.memory_space<vmem>>
      %dma_start3A_140 = arith.constant 0 : i32
      %dma_start3A_141 = tpu.memref_slice %arg5[%add3A_134, %dma_start3A_140] : memref<256x100xi32, #tpu.memory_space<vmem>> -> memref<1x100xi32, #tpu.memory_space<vmem>>
      %dma_start3A_142 = tpu.memref_squeeze %dma_start3A_141 : memref<1x100xi32, #tpu.memory_space<vmem>> -> memref<100xi32, #tpu.memory_space<vmem>>
      %dma_start3A_143 = arith.constant 0 : i32
      %dma_start3A_144 = arith.constant 0 : i32
      %dma_start3A_145 = tpu.memref_slice %arg3[%dma_start3A_143, %dma_start3A_144] : memref<100000x64xf32, #tpu.memory_space<hbm>> -> memref<100000x64xf32, #tpu.memory_space<hbm>>
      tpu.enqueue_indirect_dma source(%dma_start3A_145 : memref<100000x64xf32, #tpu.memory_space<hbm>>) target(%dma_start3A_139 : memref<100x64xf32, #tpu.memory_space<vmem>>) offsets(%dma_start3A_142 : memref<100xi32, #tpu.memory_space<vmem>>) semaphore(%arg9 : memref<!tpu.dma_semaphore, #tpu.memory_space<semaphore_mem>>)
      %mul3A_146 = arith.constant 4 : i32
      %mul3A_147 = arith.muli %add3A_68, %mul3A_146 : i32
      %add3A_148 = arith.constant 1 : i32
      %add3A_149 = arith.addi %mul3A_147, %add3A_148 : i32
      %dma_start3A_150 = arith.constant 0 : i32
      %dma_start3A_151 = arith.constant 100 : i32
      %dma_start3A_152 = arith.constant 0 : i32
      %dma_start3A_153 = tpu.memref_slice %arg7[%dma_start3A_150, %dma_start3A_151, %dma_start3A_152] : memref<2x200x64xf32, #tpu.memory_space<vmem>> -> memref<1x100x64xf32, #tpu.memory_space<vmem>>
      %dma_start3A_154 = tpu.memref_squeeze %dma_start3A_153 : memref<1x100x64xf32, #tpu.memory_space<vmem>> -> memref<100x64xf32, #tpu.memory_space<vmem>>
      %dma_start3A_155 = arith.constant 0 : i32
      %dma_start3A_156 = tpu.memref_slice %arg5[%add3A_149, %dma_start3A_155] : memref<256x100xi32, #tpu.memory_space<vmem>> -> memref<1x100xi32, #tpu.memory_space<vmem>>
      %dma_start3A_157 = tpu.memref_squeeze %dma_start3A_156 : memref<1x100xi32, #tpu.memory_space<vmem>> -> memref<100xi32, #tpu.memory_space<vmem>>
      %dma_start3A_158 = arith.constant 0 : i32
      %dma_start3A_159 = arith.constant 0 : i32
      %dma_start3A_160 = tpu.memref_slice %arg3[%dma_start3A_158, %dma_start3A_159] : memref<100000x64xf32, #tpu.memory_space<hbm>> -> memref<100000x64xf32, #tpu.memory_space<hbm>>
      tpu.enqueue_indirect_dma source(%dma_start3A_160 : memref<100000x64xf32, #tpu.memory_space<hbm>>) target(%dma_start3A_154 : memref<100x64xf32, #tpu.memory_space<vmem>>) offsets(%dma_start3A_157 : memref<100xi32, #tpu.memory_space<vmem>>) semaphore(%arg9 : memref<!tpu.dma_semaphore, #tpu.memory_space<semaphore_mem>>)
      %mul3A_161 = arith.constant 4 : i32
      %mul3A_162 = arith.muli %add3A_68, %mul3A_161 : i32
      %add3A_163 = arith.constant 2 : i32
      %add3A_164 = arith.addi %mul3A_162, %add3A_163 : i32
      %dma_start3A_165 = arith.constant 1 : i32
      %dma_start3A_166 = arith.constant 0 : i32
      %dma_start3A_167 = arith.constant 0 : i32
      %dma_start3A_168 = tpu.memref_slice %arg7[%dma_start3A_165, %dma_start3A_166, %dma_start3A_167] : memref<2x200x64xf32, #tpu.memory_space<vmem>> -> memref<1x100x64xf32, #tpu.memory_space<vmem>>
      %dma_start3A_169 = tpu.memref_squeeze %dma_start3A_168 : memref<1x100x64xf32, #tpu.memory_space<vmem>> -> memref<100x64xf32, #tpu.memory_space<vmem>>
      %dma_start3A_170 = arith.constant 0 : i32
      %dma_start3A_171 = tpu.memref_slice %arg5[%add3A_164, %dma_start3A_170] : memref<256x100xi32, #tpu.memory_space<vmem>> -> memref<1x100xi32, #tpu.memory_space<vmem>>
      %dma_start3A_172 = tpu.memref_squeeze %dma_start3A_171 : memref<1x100xi32, #tpu.memory_space<vmem>> -> memref<100xi32, #tpu.memory_space<vmem>>
      %dma_start3A_173 = arith.constant 0 : i32
      %dma_start3A_174 = arith.constant 0 : i32
      %dma_start3A_175 = tpu.memref_slice %arg3[%dma_start3A_173, %dma_start3A_174] : memref<100000x64xf32, #tpu.memory_space<hbm>> -> memref<100000x64xf32, #tpu.memory_space<hbm>>
      tpu.enqueue_indirect_dma source(%dma_start3A_175 : memref<100000x64xf32, #tpu.memory_space<hbm>>) target(%dma_start3A_169 : memref<100x64xf32, #tpu.memory_space<vmem>>) offsets(%dma_start3A_172 : memref<100xi32, #tpu.memory_space<vmem>>) semaphore(%arg9 : memref<!tpu.dma_semaphore, #tpu.memory_space<semaphore_mem>>)
      %mul3A_176 = arith.constant 4 : i32
      %mul3A_177 = arith.muli %add3A_68, %mul3A_176 : i32
      %add3A_178 = arith.constant 3 : i32
      %add3A_179 = arith.addi %mul3A_177, %add3A_178 : i32
      %dma_start3A_180 = arith.constant 1 : i32
      %dma_start3A_181 = arith.constant 100 : i32
      %dma_start3A_182 = arith.constant 0 : i32
      %dma_start3A_183 = tpu.memref_slice %arg7[%dma_start3A_180, %dma_start3A_181, %dma_start3A_182] : memref<2x200x64xf32, #tpu.memory_space<vmem>> -> memref<1x100x64xf32, #tpu.memory_space<vmem>>
      %dma_start3A_184 = tpu.memref_squeeze %dma_start3A_183 : memref<1x100x64xf32, #tpu.memory_space<vmem>> -> memref<100x64xf32, #tpu.memory_space<vmem>>
      %dma_start3A_185 = arith.constant 0 : i32
      %dma_start3A_186 = tpu.memref_slice %arg5[%add3A_179, %dma_start3A_185] : memref<256x100xi32, #tpu.memory_space<vmem>> -> memref<1x100xi32, #tpu.memory_space<vmem>>
      %dma_start3A_187 = tpu.memref_squeeze %dma_start3A_186 : memref<1x100xi32, #tpu.memory_space<vmem>> -> memref<100xi32, #tpu.memory_space<vmem>>
      %dma_start3A_188 = arith.constant 0 : i32
      %dma_start3A_189 = arith.constant 0 : i32
      %dma_start3A_190 = tpu.memref_slice %arg3[%dma_start3A_188, %dma_start3A_189] : memref<100000x64xf32, #tpu.memory_space<hbm>> -> memref<100000x64xf32, #tpu.memory_space<hbm>>
      tpu.enqueue_indirect_dma source(%dma_start3A_190 : memref<100000x64xf32, #tpu.memory_space<hbm>>) target(%dma_start3A_184 : memref<100x64xf32, #tpu.memory_space<vmem>>) offsets(%dma_start3A_187 : memref<100xi32, #tpu.memory_space<vmem>>) semaphore(%arg9 : memref<!tpu.dma_semaphore, #tpu.memory_space<semaphore_mem>>)
      %mul3A_191 = arith.constant 2 : i32
      %mul3A_192 = arith.muli %mul3A_64, %mul3A_191 : i32
      %add3A_193 = arith.addi %mul3A_2, %mul3A_192 : i32
      %dma_start3A_194 = arith.constant 0 : i32
      %dma_start3A_195 = arith.constant 0 : i32
      %dma_start3A_196 = tpu.memref_slice %arg4[%add3A_193, %dma_start3A_194, %dma_start3A_195] : memref<4096x200x64xf32, #tpu.memory_space<hbm>> -> memref<2x200x64xf32, #tpu.memory_space<hbm>>
      %dma_start3A_197 = arith.constant 0 : i32
      %dma_start3A_198 = arith.constant 0 : i32
      %dma_start3A_199 = tpu.memref_slice %arg4[%add3A_193, %dma_start3A_197, %dma_start3A_198] : memref<4096x200x64xf32, #tpu.memory_space<hbm>> -> memref<2x200x64xf32, #tpu.memory_space<hbm>>
      tpu.enqueue_dma source(%arg6 : memref<2x200x64xf32, #tpu.memory_space<vmem>>) target(%dma_start3A_199 : memref<2x200x64xf32, #tpu.memory_space<hbm>>) target_semaphore(%arg10 : memref<!tpu.dma_semaphore, #tpu.memory_space<semaphore_mem>>)
      %mul3A_200 = arith.constant 4 : i32
      %mul3A_201 = arith.muli %add3A_68, %mul3A_200 : i32
      %add3A_202 = arith.constant 0 : i32
      %add3A_203 = arith.addi %mul3A_201, %add3A_202 : i32
      %dma_wait3A_204 = arith.constant 0 : i32
      %dma_wait3A_205 = arith.constant 0 : i32
      %dma_wait3A_206 = arith.constant 0 : i32
      %dma_wait3A_207 = tpu.memref_slice %arg7[%dma_wait3A_204, %dma_wait3A_205, %dma_wait3A_206] : memref<2x200x64xf32, #tpu.memory_space<vmem>> -> memref<1x100x64xf32, #tpu.memory_space<vmem>>
      %dma_wait3A_208 = tpu.memref_squeeze %dma_wait3A_207 : memref<1x100x64xf32, #tpu.memory_space<vmem>> -> memref<100x64xf32, #tpu.memory_space<vmem>>
      %dma_wait3A_209 = arith.constant 0 : i32
      %dma_wait3A_210 = tpu.memref_slice %arg5[%add3A_203, %dma_wait3A_209] : memref<256x100xi32, #tpu.memory_space<vmem>> -> memref<1x100xi32, #tpu.memory_space<vmem>>
      %dma_wait3A_211 = tpu.memref_squeeze %dma_wait3A_210 : memref<1x100xi32, #tpu.memory_space<vmem>> -> memref<100xi32, #tpu.memory_space<vmem>>
      %dma_wait3A_212 = arith.constant 0 : i32
      %dma_wait3A_213 = arith.constant 0 : i32
      %dma_wait3A_214 = tpu.memref_slice %arg3[%dma_wait3A_212, %dma_wait3A_213] : memref<100000x64xf32, #tpu.memory_space<hbm>> -> memref<100000x64xf32, #tpu.memory_space<hbm>>
      tpu.wait_indirect_dma semaphore(%arg9 : memref<!tpu.dma_semaphore, #tpu.memory_space<semaphore_mem>>) src(%dma_wait3A_214 : memref<100000x64xf32, #tpu.memory_space<hbm>>) dst(%dma_wait3A_208 : memref<100x64xf32, #tpu.memory_space<vmem>>)
      %mul3A_215 = arith.constant 4 : i32
      %mul3A_216 = arith.muli %add3A_68, %mul3A_215 : i32
      %add3A_217 = arith.constant 1 : i32
      %add3A_218 = arith.addi %mul3A_216, %add3A_217 : i32
      %dma_wait3A_219 = arith.constant 0 : i32
      %dma_wait3A_220 = arith.constant 100 : i32
      %dma_wait3A_221 = arith.constant 0 : i32
      %dma_wait3A_222 = tpu.memref_slice %arg7[%dma_wait3A_219, %dma_wait3A_220, %dma_wait3A_221] : memref<2x200x64xf32, #tpu.memory_space<vmem>> -> memref<1x100x64xf32, #tpu.memory_space<vmem>>
      %dma_wait3A_223 = tpu.memref_squeeze %dma_wait3A_222 : memref<1x100x64xf32, #tpu.memory_space<vmem>> -> memref<100x64xf32, #tpu.memory_space<vmem>>
      %dma_wait3A_224 = arith.constant 0 : i32
      %dma_wait3A_225 = tpu.memref_slice %arg5[%add3A_218, %dma_wait3A_224] : memref<256x100xi32, #tpu.memory_space<vmem>> -> memref<1x100xi32, #tpu.memory_space<vmem>>
      %dma_wait3A_226 = tpu.memref_squeeze %dma_wait3A_225 : memref<1x100xi32, #tpu.memory_space<vmem>> -> memref<100xi32, #tpu.memory_space<vmem>>
      %dma_wait3A_227 = arith.constant 0 : i32
      %dma_wait3A_228 = arith.constant 0 : i32
      %dma_wait3A_229 = tpu.memref_slice %arg3[%dma_wait3A_227, %dma_wait3A_228] : memref<100000x64xf32, #tpu.memory_space<hbm>> -> memref<100000x64xf32, #tpu.memory_space<hbm>>
      tpu.wait_indirect_dma semaphore(%arg9 : memref<!tpu.dma_semaphore, #tpu.memory_space<semaphore_mem>>) src(%dma_wait3A_229 : memref<100000x64xf32, #tpu.memory_space<hbm>>) dst(%dma_wait3A_223 : memref<100x64xf32, #tpu.memory_space<vmem>>)
      %mul3A_230 = arith.constant 4 : i32
      %mul3A_231 = arith.muli %add3A_68, %mul3A_230 : i32
      %add3A_232 = arith.constant 2 : i32
      %add3A_233 = arith.addi %mul3A_231, %add3A_232 : i32
      %dma_wait3A_234 = arith.constant 1 : i32
      %dma_wait3A_235 = arith.constant 0 : i32
      %dma_wait3A_236 = arith.constant 0 : i32
      %dma_wait3A_237 = tpu.memref_slice %arg7[%dma_wait3A_234, %dma_wait3A_235, %dma_wait3A_236] : memref<2x200x64xf32, #tpu.memory_space<vmem>> -> memref<1x100x64xf32, #tpu.memory_space<vmem>>
      %dma_wait3A_238 = tpu.memref_squeeze %dma_wait3A_237 : memref<1x100x64xf32, #tpu.memory_space<vmem>> -> memref<100x64xf32, #tpu.memory_space<vmem>>
      %dma_wait3A_239 = arith.constant 0 : i32
      %dma_wait3A_240 = tpu.memref_slice %arg5[%add3A_233, %dma_wait3A_239] : memref<256x100xi32, #tpu.memory_space<vmem>> -> memref<1x100xi32, #tpu.memory_space<vmem>>
      %dma_wait3A_241 = tpu.memref_squeeze %dma_wait3A_240 : memref<1x100xi32, #tpu.memory_space<vmem>> -> memref<100xi32, #tpu.memory_space<vmem>>
      %dma_wait3A_242 = arith.constant 0 : i32
      %dma_wait3A_243 = arith.constant 0 : i32
      %dma_wait3A_244 = tpu.memref_slice %arg3[%dma_wait3A_242, %dma_wait3A_243] : memref<100000x64xf32, #tpu.memory_space<hbm>> -> memref<100000x64xf32, #tpu.memory_space<hbm>>
      tpu.wait_indirect_dma semaphore(%arg9 : memref<!tpu.dma_semaphore, #tpu.memory_space<semaphore_mem>>) src(%dma_wait3A_244 : memref<100000x64xf32, #tpu.memory_space<hbm>>) dst(%dma_wait3A_238 : memref<100x64xf32, #tpu.memory_space<vmem>>)
      %mul3A_245 = arith.constant 4 : i32
      %mul3A_246 = arith.muli %add3A_68, %mul3A_245 : i32
      %add3A_247 = arith.constant 3 : i32
      %add3A_248 = arith.addi %mul3A_246, %add3A_247 : i32
      %dma_wait3A_249 = arith.constant 1 : i32
      %dma_wait3A_250 = arith.constant 100 : i32
      %dma_wait3A_251 = arith.constant 0 : i32
      %dma_wait3A_252 = tpu.memref_slice %arg7[%dma_wait3A_249, %dma_wait3A_250, %dma_wait3A_251] : memref<2x200x64xf32, #tpu.memory_space<vmem>> -> memref<1x100x64xf32, #tpu.memory_space<vmem>>
      %dma_wait3A_253 = tpu.memref_squeeze %dma_wait3A_252 : memref<1x100x64xf32, #tpu.memory_space<vmem>> -> memref<100x64xf32, #tpu.memory_space<vmem>>
      %dma_wait3A_254 = arith.constant 0 : i32
      %dma_wait3A_255 = tpu.memref_slice %arg5[%add3A_248, %dma_wait3A_254] : memref<256x100xi32, #tpu.memory_space<vmem>> -> memref<1x100xi32, #tpu.memory_space<vmem>>
      %dma_wait3A_256 = tpu.memref_squeeze %dma_wait3A_255 : memref<1x100xi32, #tpu.memory_space<vmem>> -> memref<100xi32, #tpu.memory_space<vmem>>
      %dma_wait3A_257 = arith.constant 0 : i32
      %dma_wait3A_258 = arith.constant 0 : i32
      %dma_wait3A_259 = tpu.memref_slice %arg3[%dma_wait3A_257, %dma_wait3A_258] : memref<100000x64xf32, #tpu.memory_space<hbm>> -> memref<100000x64xf32, #tpu.memory_space<hbm>>
      tpu.wait_indirect_dma semaphore(%arg9 : memref<!tpu.dma_semaphore, #tpu.memory_space<semaphore_mem>>) src(%dma_wait3A_259 : memref<100000x64xf32, #tpu.memory_space<hbm>>) dst(%dma_wait3A_253 : memref<100x64xf32, #tpu.memory_space<vmem>>)
      %mul3A_260 = arith.constant 2 : i32
      %mul3A_261 = arith.muli %mul3A_64, %mul3A_260 : i32
      %add3A_262 = arith.addi %mul3A_2, %mul3A_261 : i32
      %dma_wait3A_263 = arith.constant 0 : i32
      %dma_wait3A_264 = arith.constant 0 : i32
      %dma_wait3A_265 = tpu.memref_slice %arg4[%add3A_262, %dma_wait3A_263, %dma_wait3A_264] : memref<4096x200x64xf32, #tpu.memory_space<hbm>> -> memref<2x200x64xf32, #tpu.memory_space<hbm>>
      %dma_wait3A_266 = arith.constant 0 : i32
      %dma_wait3A_267 = arith.constant 0 : i32
      %dma_wait3A_268 = tpu.memref_slice %arg4[%add3A_262, %dma_wait3A_266, %dma_wait3A_267] : memref<4096x200x64xf32, #tpu.memory_space<hbm>> -> memref<2x200x64xf32, #tpu.memory_space<hbm>>
      tpu.wait_dma2 semaphore(%arg10 : memref<!tpu.dma_semaphore, #tpu.memory_space<semaphore_mem>>) src(%arg6 : memref<2x200x64xf32, #tpu.memory_space<vmem>>) dst(%dma_wait3A_268 : memref<2x200x64xf32, #tpu.memory_space<hbm>>)
      %add3A_269 = arith.constant 2 : i32
      %add3A_270 = arith.addi %mul3A_64, %add3A_269 : i32
      %lt3A = arith.constant 64 : i32
      %lt3A_271 = arith.cmpi slt, %add3A_270, %lt3A : i32
      %convert_element_type3A_272 = arith.extui %lt3A_271 : i1 to i32
      %cond3A_273 = arith.constant 0 : i32
      %cond3A_274 = arith.cmpi ne, %convert_element_type3A_272, %cond3A_273 : i32
      scf.if %cond3A_274 {
        %add3A_284 = arith.constant 2 : i32
        %add3A_285 = arith.addi %mul3A_64, %add3A_284 : i32
        %mul3A_286 = arith.constant 4 : i32
        %mul3A_287 = arith.muli %add3A_285, %mul3A_286 : i32
        %add3A_288 = arith.constant 0 : i32
        %add3A_289 = arith.addi %mul3A_287, %add3A_288 : i32
        %dma_start3A_290 = arith.constant 0 : i32
        %dma_start3A_291 = arith.constant 0 : i32
        %dma_start3A_292 = arith.constant 0 : i32
        %dma_start3A_293 = tpu.memref_slice %arg6[%dma_start3A_290, %dma_start3A_291, %dma_start3A_292] : memref<2x200x64xf32, #tpu.memory_space<vmem>> -> memref<1x100x64xf32, #tpu.memory_space<vmem>>
        %dma_start3A_294 = tpu.memref_squeeze %dma_start3A_293 : memref<1x100x64xf32, #tpu.memory_space<vmem>> -> memref<100x64xf32, #tpu.memory_space<vmem>>
        %dma_start3A_295 = arith.constant 0 : i32
        %dma_start3A_296 = tpu.memref_slice %arg5[%add3A_289, %dma_start3A_295] : memref<256x100xi32, #tpu.memory_space<vmem>> -> memref<1x100xi32, #tpu.memory_space<vmem>>
        %dma_start3A_297 = tpu.memref_squeeze %dma_start3A_296 : memref<1x100xi32, #tpu.memory_space<vmem>> -> memref<100xi32, #tpu.memory_space<vmem>>
        %dma_start3A_298 = arith.constant 0 : i32
        %dma_start3A_299 = arith.constant 0 : i32
        %dma_start3A_300 = tpu.memref_slice %arg3[%dma_start3A_298, %dma_start3A_299] : memref<100000x64xf32, #tpu.memory_space<hbm>> -> memref<100000x64xf32, #tpu.memory_space<hbm>>
        tpu.enqueue_indirect_dma source(%dma_start3A_300 : memref<100000x64xf32, #tpu.memory_space<hbm>>) target(%dma_start3A_294 : memref<100x64xf32, #tpu.memory_space<vmem>>) offsets(%dma_start3A_297 : memref<100xi32, #tpu.memory_space<vmem>>) semaphore(%arg8 : memref<!tpu.dma_semaphore, #tpu.memory_space<semaphore_mem>>)
        %mul3A_301 = arith.constant 4 : i32
        %mul3A_302 = arith.muli %add3A_285, %mul3A_301 : i32
        %add3A_303 = arith.constant 1 : i32
        %add3A_304 = arith.addi %mul3A_302, %add3A_303 : i32
        %dma_start3A_305 = arith.constant 0 : i32
        %dma_start3A_306 = arith.constant 100 : i32
        %dma_start3A_307 = arith.constant 0 : i32
        %dma_start3A_308 = tpu.memref_slice %arg6[%dma_start3A_305, %dma_start3A_306, %dma_start3A_307] : memref<2x200x64xf32, #tpu.memory_space<vmem>> -> memref<1x100x64xf32, #tpu.memory_space<vmem>>
        %dma_start3A_309 = tpu.memref_squeeze %dma_start3A_308 : memref<1x100x64xf32, #tpu.memory_space<vmem>> -> memref<100x64xf32, #tpu.memory_space<vmem>>
        %dma_start3A_310 = arith.constant 0 : i32
        %dma_start3A_311 = tpu.memref_slice %arg5[%add3A_304, %dma_start3A_310] : memref<256x100xi32, #tpu.memory_space<vmem>> -> memref<1x100xi32, #tpu.memory_space<vmem>>
        %dma_start3A_312 = tpu.memref_squeeze %dma_start3A_311 : memref<1x100xi32, #tpu.memory_space<vmem>> -> memref<100xi32, #tpu.memory_space<vmem>>
        %dma_start3A_313 = arith.constant 0 : i32
        %dma_start3A_314 = arith.constant 0 : i32
        %dma_start3A_315 = tpu.memref_slice %arg3[%dma_start3A_313, %dma_start3A_314] : memref<100000x64xf32, #tpu.memory_space<hbm>> -> memref<100000x64xf32, #tpu.memory_space<hbm>>
        tpu.enqueue_indirect_dma source(%dma_start3A_315 : memref<100000x64xf32, #tpu.memory_space<hbm>>) target(%dma_start3A_309 : memref<100x64xf32, #tpu.memory_space<vmem>>) offsets(%dma_start3A_312 : memref<100xi32, #tpu.memory_space<vmem>>) semaphore(%arg8 : memref<!tpu.dma_semaphore, #tpu.memory_space<semaphore_mem>>)
        %mul3A_316 = arith.constant 4 : i32
        %mul3A_317 = arith.muli %add3A_285, %mul3A_316 : i32
        %add3A_318 = arith.constant 2 : i32
        %add3A_319 = arith.addi %mul3A_317, %add3A_318 : i32
        %dma_start3A_320 = arith.constant 1 : i32
        %dma_start3A_321 = arith.constant 0 : i32
        %dma_start3A_322 = arith.constant 0 : i32
        %dma_start3A_323 = tpu.memref_slice %arg6[%dma_start3A_320, %dma_start3A_321, %dma_start3A_322] : memref<2x200x64xf32, #tpu.memory_space<vmem>> -> memref<1x100x64xf32, #tpu.memory_space<vmem>>
        %dma_start3A_324 = tpu.memref_squeeze %dma_start3A_323 : memref<1x100x64xf32, #tpu.memory_space<vmem>> -> memref<100x64xf32, #tpu.memory_space<vmem>>
        %dma_start3A_325 = arith.constant 0 : i32
        %dma_start3A_326 = tpu.memref_slice %arg5[%add3A_319, %dma_start3A_325] : memref<256x100xi32, #tpu.memory_space<vmem>> -> memref<1x100xi32, #tpu.memory_space<vmem>>
        %dma_start3A_327 = tpu.memref_squeeze %dma_start3A_326 : memref<1x100xi32, #tpu.memory_space<vmem>> -> memref<100xi32, #tpu.memory_space<vmem>>
        %dma_start3A_328 = arith.constant 0 : i32
        %dma_start3A_329 = arith.constant 0 : i32
        %dma_start3A_330 = tpu.memref_slice %arg3[%dma_start3A_328, %dma_start3A_329] : memref<100000x64xf32, #tpu.memory_space<hbm>> -> memref<100000x64xf32, #tpu.memory_space<hbm>>
        tpu.enqueue_indirect_dma source(%dma_start3A_330 : memref<100000x64xf32, #tpu.memory_space<hbm>>) target(%dma_start3A_324 : memref<100x64xf32, #tpu.memory_space<vmem>>) offsets(%dma_start3A_327 : memref<100xi32, #tpu.memory_space<vmem>>) semaphore(%arg8 : memref<!tpu.dma_semaphore, #tpu.memory_space<semaphore_mem>>)
        %mul3A_331 = arith.constant 4 : i32
        %mul3A_332 = arith.muli %add3A_285, %mul3A_331 : i32
        %add3A_333 = arith.constant 3 : i32
        %add3A_334 = arith.addi %mul3A_332, %add3A_333 : i32
        %dma_start3A_335 = arith.constant 1 : i32
        %dma_start3A_336 = arith.constant 100 : i32
        %dma_start3A_337 = arith.constant 0 : i32
        %dma_start3A_338 = tpu.memref_slice %arg6[%dma_start3A_335, %dma_start3A_336, %dma_start3A_337] : memref<2x200x64xf32, #tpu.memory_space<vmem>> -> memref<1x100x64xf32, #tpu.memory_space<vmem>>
        %dma_start3A_339 = tpu.memref_squeeze %dma_start3A_338 : memref<1x100x64xf32, #tpu.memory_space<vmem>> -> memref<100x64xf32, #tpu.memory_space<vmem>>
        %dma_start3A_340 = arith.constant 0 : i32
        %dma_start3A_341 = tpu.memref_slice %arg5[%add3A_334, %dma_start3A_340] : memref<256x100xi32, #tpu.memory_space<vmem>> -> memref<1x100xi32, #tpu.memory_space<vmem>>
        %dma_start3A_342 = tpu.memref_squeeze %dma_start3A_341 : memref<1x100xi32, #tpu.memory_space<vmem>> -> memref<100xi32, #tpu.memory_space<vmem>>
        %dma_start3A_343 = arith.constant 0 : i32
        %dma_start3A_344 = arith.constant 0 : i32
        %dma_start3A_345 = tpu.memref_slice %arg3[%dma_start3A_343, %dma_start3A_344] : memref<100000x64xf32, #tpu.memory_space<hbm>> -> memref<100000x64xf32, #tpu.memory_space<hbm>>
        tpu.enqueue_indirect_dma source(%dma_start3A_345 : memref<100000x64xf32, #tpu.memory_space<hbm>>) target(%dma_start3A_339 : memref<100x64xf32, #tpu.memory_space<vmem>>) offsets(%dma_start3A_342 : memref<100xi32, #tpu.memory_space<vmem>>) semaphore(%arg8 : memref<!tpu.dma_semaphore, #tpu.memory_space<semaphore_mem>>)
      } else {
      }
      %mul3A_275 = arith.constant 2 : i32
      %mul3A_276 = arith.muli %add3A_68, %mul3A_275 : i32
      %add3A_277 = arith.addi %mul3A_2, %mul3A_276 : i32
      %dma_start3A_278 = arith.constant 0 : i32
      %dma_start3A_279 = arith.constant 0 : i32
      %dma_start3A_280 = tpu.memref_slice %arg4[%add3A_277, %dma_start3A_278, %dma_start3A_279] : memref<4096x200x64xf32, #tpu.memory_space<hbm>> -> memref<2x200x64xf32, #tpu.memory_space<hbm>>
      %dma_start3A_281 = arith.constant 0 : i32
      %dma_start3A_282 = arith.constant 0 : i32
      %dma_start3A_283 = tpu.memref_slice %arg4[%add3A_277, %dma_start3A_281, %dma_start3A_282] : memref<4096x200x64xf32, #tpu.memory_space<hbm>> -> memref<2x200x64xf32, #tpu.memory_space<hbm>>
      tpu.enqueue_dma source(%arg7 : memref<2x200x64xf32, #tpu.memory_space<vmem>>) target(%dma_start3A_283 : memref<2x200x64xf32, #tpu.memory_space<hbm>>) target_semaphore(%arg11 : memref<!tpu.dma_semaphore, #tpu.memory_space<semaphore_mem>>)
    }
    %scan3A_54 = arith.constant 32 : i32
    %add3A_55 = arith.constant 126 : i32
    %add3A_56 = arith.addi %mul3A_2, %add3A_55 : i32
    %dma_wait3A = arith.constant 0 : i32
    %dma_wait3A_57 = arith.constant 0 : i32
    %dma_wait3A_58 = tpu.memref_slice %arg4[%add3A_56, %dma_wait3A, %dma_wait3A_57] : memref<4096x200x64xf32, #tpu.memory_space<hbm>> -> memref<2x200x64xf32, #tpu.memory_space<hbm>>
    %dma_wait3A_59 = arith.constant 0 : i32
    %dma_wait3A_60 = arith.constant 0 : i32
    %dma_wait3A_61 = tpu.memref_slice %arg4[%add3A_56, %dma_wait3A_59, %dma_wait3A_60] : memref<4096x200x64xf32, #tpu.memory_space<hbm>> -> memref<2x200x64xf32, #tpu.memory_space<hbm>>
    tpu.wait_dma2 semaphore(%arg11 : memref<!tpu.dma_semaphore, #tpu.memory_space<semaphore_mem>>) src(%arg7 : memref<2x200x64xf32, #tpu.memory_space<vmem>>) dst(%dma_wait3A_61 : memref<2x200x64xf32, #tpu.memory_space<hbm>>)
    return
  }
}

</mosaic_0001>

<sc_bundles>
// kernel: kernel.3.cloned.1.call-start
scs
__scs_entry_jumppad:
0x0: {  	(pc) =	sbr.rel $0x88, $3  }
0x1: {  	(tag) =	ssettag $0x0;
	lr =	simm.s32 $0x1  }
0x2: {  	[smem:$0x3F9F] =	sst lr;
	_ =	strace $0xD0000000  }
0x3: {  	_ = 	snop  }
0x4: {  	_ = 	snop  }
0x5: {  	_ = 	snop  }
0x6: {  	_ = 	snop  }
0x7: {  	_ = 	snop  }
__scs_overlays_trampoline_lowered:
0x8: {  	[smem:$0x3FAE] =	sst s0  }
0x9: {  	[smem:$0x3FAF] =	sst s1  }
0xa: {  	[smem:$0x3FB0] =	sst s2  }
0xb: {  	[smem:$0x3FB1] =	sst s3  }
0xc: {  	[smem:$0x3FB2] =	sst s4  }
0xd: {  	[smem:$0x3FB3] =	sst s5  }
0xe: {  	[smem:$0x3FB4] =	sst s6  }
0xf: {  	[smem:$0x3FB5] =	sst s7  }
0x10: {  	[smem:$0x3FB6] =	sst s8  }
0x11: {  	[smem:$0x3FB7] =	sst s9;
	s0 =	simm.s32 @!p0 $0x0  }
0x12: {  	s1 =	sld [smem:$0x3F9D];
	s0 =	simm.s32 @p0 $0x1  }
0x13: {  	[smem:$0x3FB8] =	sst s0;
	s0 =	simm.s32 @!p1 $0x0  }
0x14: {  	s2 =	sld [smem:$0x3F9C];
	s0 =	simm.s32 @p1 $0x1  }
0x15: {  	[smem:$0x3FB9] =	sst s0;
	s0 =	simm.s32 @!p2 $0x0  }
0x16: {  	s3 =	sld [smem:$0x3FDB];
	s0 =	simm.s32 @p2 $0x1  }
0x17: {  	s4 =	simm.s32 $0x1BF5;
	[smem:$0x3FBB] =	sst s0  }
0x18: {  	s0 =	sld [smem:$0x3F9E];
	_ =	swait.ge [sflag:s4], $0x0  }
0x19: {  	s7 =	sld [smem:$0x3F9F]  }
0x1a: {  	s8 =	sadd.s32 $0xFFFFE003, lr  }
0x1b: {  	s9 =	sadd.s32 $0xFFFFFEF7, lr;
	s5 =	simm.s32 $0xFFFFFFFF;
	p2 =	slt.u32 s8, $0xFFFFF086  }
0x1c: {  	p1 =	slt.u32 s9, $0xF7A;
	s5 =	simm.s32 @!p2 $0x0  }
0x1d: {  	s5 =	simm.s32 @p1 $0x1;
	p0 =	seq.s32 s7, s2  }
0x1e: {  	s7 =	smul.u32 @!p0 $0xF7A, s2;
	p2 =	seq.s32 @!p0 s5, $0x0  }
0x1f: {  	s9 =	smul.u32 $0xF7A, s1;
	s8 =	simm.s32 @!p0 $0x1BF5;
	p2 =	por !p2, p0  }
0x20: {  	[sflag:s8] =	ssyncset.s32 @!p0 $0xFFFFF086;
	s6 =	sadd.s32 @!p0 s3, s7;
	s7 =	simm.s32 @!p0 $0x108  }
0x21: {  	s3 =	sadd.s32 s3, s9;
	s6 =	sadd.s32 @!p0 $0x88, s6;
	s7 =	simm.s32 @p2 $0x1082  }
0x22: {  	[simem:s7], [sflag:s8] =	dma.local @!p0 [hbm:s6], $0xF7A  }
0x23: {  	s9 =	sor.u32 $0xD0000000, s2;
	s6 =	simm.s32 $0x108;
	_ =	swait.ge @!p0 [sflag:s8], $0x0  }
0x24: {  	s3 =	sadd.s32 $0x88, s3;
	s6 =	simm.s32 @!p1 $0x1082;
	[sflag:s4] =	ssyncset.s32 $0xFFFFF086  }
0x25: {  	[simem:s6], [sflag:s4] =	dma.local [hbm:s3], $0xF7A  }
0x26: {  	[smem:$0x3F9F] =	sst s1;
	(tag) =	ssettag s2;
	_ =	strace s9  }
0x27: {  	s1 =	sld [smem:$0x3FAF]  }
0x28: {  	s2 =	sld [smem:$0x3FB0]  }
0x29: {  	s4 =	sld [smem:$0x3FB2]  }
0x2a: {  	p0 =	seq.s32 s5, $0x0;
	s5 =	sld [smem:$0x3FB3]  }
0x2b: {  	s6 =	sld [smem:$0x3FB4]  }
0x2c: {  	s7 =	sld [smem:$0x3FB5]  }
0x2d: {  	s3 =	simm.s32 $0x108;
	s8 =	sld [smem:$0x3FB6]  }
0x2e: {  	s3 =	simm.s32 @!p0 $0x1082;
	s9 =	sld [smem:$0x3FB7]  }
0x2f: {  	lr =	sadd.s32 s0, s3;
	s0 =	sld [smem:$0x3FAE]  }
0x30: {  	s3 =	sld [smem:$0x3FB1]  }
0x31: {  	[smem:$0x3FBA] =	sst s10  }
0x32: {  	s10 =	sld [smem:$0x3FB8];
	_ =	sdelay $0x3  }
0x33: {  	p0 =	seq.s32 s10, $0x1;
	s10 =	sld [smem:$0x3FBA];
	_ =	sdelay $0x3  }
0x34: {  	[smem:$0x3FBA] =	sst s10  }
0x35: {  	s10 =	sld [smem:$0x3FB9];
	_ =	sdelay $0x3  }
0x36: {  	p1 =	seq.s32 s10, $0x1;
	s10 =	sld [smem:$0x3FBA];
	_ =	sdelay $0x3  }
0x37: {  	[smem:$0x3FBA] =	sst s10  }
0x38: {  	s10 =	sld [smem:$0x3FBB]  }
0x39: {  	_ = 	snop;
	(pc) =	sbr.ind lr, $3  }
0x3a: {  	_ = 	snop  }
0x3b: {  	_ = 	snop  }
0x3c: {  	p2 =	seq.s32 s10, $0x1;
	s10 =	sld [smem:$0x3FBA]  }
0x3d: {  	_ =	shalt  }
0x3e: {  	_ =	shalt  }
0x3f: {  	_ =	shalt  }
0x40: {  	_ =	shalt  }
0x41: {  	_ =	shalt  }
0x42: {  	_ =	shalt  }
0x43: {  	_ =	shalt  }
0x44: {  	_ =	shalt  }
0x45: {  	_ =	shalt  }
0x46: {  	_ =	shalt  }
0x47: {  	_ =	shalt  }
0x48: {  	_ =	shalt  }
0x49: {  	_ =	shalt  }
0x4a: {  	_ =	shalt  }
0x4b: {  	_ =	shalt  }
0x4c: {  	_ =	shalt  }
0x4d: {  	_ =	shalt  }
0x4e: {  	_ =	shalt  }
0x4f: {  	_ =	shalt  }
0x50: {  	_ =	shalt  }
0x51: {  	_ =	shalt  }
0x52: {  	_ =	shalt  }
0x53: {  	_ =	shalt  }
0x54: {  	_ =	shalt  }
0x55: {  	_ =	shalt  }
0x56: {  	_ =	shalt  }
0x57: {  	_ =	shalt  }
0x58: {  	_ =	shalt  }
0x59: {  	_ =	shalt  }
0x5a: {  	_ =	shalt  }
0x5b: {  	_ =	shalt  }
0x5c: {  	_ =	shalt  }
0x5d: {  	_ =	shalt  }
0x5e: {  	_ =	shalt  }
0x5f: {  	_ =	shalt  }
0x60: {  	_ =	shalt  }
0x61: {  	_ =	shalt  }
0x62: {  	_ =	shalt  }
0x63: {  	_ =	shalt  }
0x64: {  	_ =	shalt  }
0x65: {  	_ =	shalt  }
0x66: {  	_ =	shalt  }
0x67: {  	_ =	shalt  }
0x68: {  	_ =	shalt  }
0x69: {  	_ =	shalt  }
0x6a: {  	_ =	shalt  }
0x6b: {  	_ =	shalt  }
0x6c: {  	_ =	shalt  }
0x6d: {  	_ =	shalt  }
0x6e: {  	_ =	shalt  }
0x6f: {  	_ =	shalt  }
0x70: {  	_ =	shalt  }
0x71: {  	_ =	shalt  }
0x72: {  	_ =	shalt  }
0x73: {  	_ =	shalt  }
0x74: {  	_ =	shalt  }
0x75: {  	_ =	shalt  }
0x76: {  	_ =	shalt  }
0x77: {  	_ =	shalt  }
0x78: {  	_ =	shalt  }
0x79: {  	_ =	shalt  }
0x7a: {  	_ =	shalt  }
0x7b: {  	_ =	shalt  }
0x7c: {  	_ =	shalt  }
0x7d: {  	_ =	shalt  }
0x7e: {  	_ =	shalt  }
0x7f: {  	_ =	shalt  }
0x80: {  	_ =	shalt  }
0x81: {  	_ =	shalt  }
0x82: {  	_ =	shalt  }
0x83: {  	_ =	shalt  }
0x84: {  	_ =	shalt  }
0x85: {  	_ =	shalt  }
0x86: {  	_ =	shalt  }
0x87: {  	_ =	shalt  }
.Lfunc_end0:
.L_simem_size_0:
called_computation.1_lowered:
.L_overlay_start_0:
0x88: {  	s2 =	sld [smem:$0x3FD9]  }
0x89: {  	s3 =	sld [smem:$0x3FFE];
	_ =	sdelay $0x1  }
0x8a: {  	s1 =	srdreg.scid  }
0x8b: {  	s0 =	sand.u32 $0x1, s1  }
0x8c: {  	s17 =	sshll.u32 s0, $0xA;
	s2 =	sadd.s32 s3, s2  }
0x8d: {  	s2 =	sadd.s32 s2, s17  }
0x8e: {  	[smem:$0x3FC6] =	sst s2  }
0x8f: {  	_ = 	snop  }
0x90: {  	s2 =	sld [smem:$0x3FD0];
	(tm) =	ssettm $0x1  }
0x91: {  	s18 =	sld [smem:$0x3FFB];
	_ =	sdelay $0x3  }
0x92: {  	_ =	strace s18  }
0x93: {  	s3 =	sld [smem:$0x3FFC];
	_ =	sdelay $0x3  }
0x94: {  	_ =	strace s3  }
0x95: {  	s3 =	sld [smem:$0x3FFD];
	_ =	sdelay $0x3  }
0x96: {  	_ =	strace s3  }
0x97: {  	_ =	strace $0x8FFFFFFF  }
0x98: {  	s19 =	sld [smem:$0x3FDB];
	_ =	sdelay $0x1  }
0x99: {  	s4 =	simm.s32 $_scs_section_size  }
0x9a: {  	s5 =	simm.s32 $_size__tile_overlayer_lowered;
	s6 =	simm.s32 $_tile_overlayer_lowered  }
0x9b: {  	s22 =	simm.s32 $0x1BFF;
	s21 =	sshll.u32 s6, $0x1;
	s3 =	sadd.s32 s4, s19  }
0x9c: {  	s7 =	simm.s32 $0x0;
	s20 =	sshll.u32 s5, $0x1;
	s5 =	sadd.s32 s21, s3  }
0x9d: {  	[timem:s7], [sflag:s22] =	dma.local [hbm:s5], s20  }
0x9e: {  	_ =	swait.ge [sflag:s22], s20  }
0x9f: {  	s4 =	ssub.s32 $0x0, s20;
	[sflag:s22] =	ssyncset.done $0x0  }
0xa0: {  	[sflag:s22] =	ssyncadd.s32 s4;
	_ =	sdelay $0x1  }
0xa1: {  	s23 =	simm.s32 $0x1B8B  }
0xa2: {  	_ =	swait.ge [sflag:s23], $0x1  }
0xa3: {  	[sflag:s23] =	ssyncset.done $0x0  }
0xa4: {  	s25 =	simm.s32 $0x1B8E;
	s24 =	sld [smem:$0x3FFE];
	[sflag:s23] =	ssyncadd.s32 $0xFFFFFFFF  }
0xa5: {  	s26 =	simm.s32 $execute0_lowered;
	[smem:$0x3FD2] =	sst s25  }
0xa6: {  	s5 =	sshll.u32 s26, $0x1;
	_ =	strace $0x80000046;
	[dreg:$0x1] =	wrdreg $0xFFFFFFFF  }
0xa7: {  	s28 =	simm.s32 $_size_execute0_lowered;
	s3 =	sadd.s32 s3, s5;
	[dreg:$0x0] =	wrdreg $0x0  }
0xa8: {  	s5 =	sshll.u32 s28, $0x1;
	[dreg:$0x2] =	wrdreg s3  }
0xa9: {  	[dreg:$0x3] =	wrdreg s5  }
0xaa: {  	[dreg:$0x4] =	wrdreg $0xC0  }
0xab: {  	_ =	task [dreg:s7], $0x5FFFF  }
0xac: {  	[dreg:$0x1] =	wrdreg $0xFFFFFFFF  }
0xad: {  	[dreg:$0x0] =	wrdreg $0x60  }
0xae: {  	[dreg:$0x2] =	wrdreg s24  }
0xaf: {  	[dreg:$0x3] =	wrdreg s2  }
0xb0: {  	[dreg:$0x4] =	wrdreg $0x9  }
0xb1: {  	_ =	task.clear_ibuf [dreg:s7], $0x5FFFF;
	_ =	strace $0x90000046  }
0xb2: {  	s29 =	simm.s32 $0x9;
	_ =	strace $0x80000048  }
0xb3: {  	_ =	swait.ge [sflag:s29], $0x1  }
0xb4: {  	[sflag:s29] =	ssyncadd.s32 $0xFFFFFFFF  }
0xb5: {  	_ =	strace $0x90000048  }
0xb6: {  	_ =	sfence  }
0xb7: {  	s30 =	sld [smem:$0x0];
	_ =	sdelay $0x2  }
0xb8: {  	s31 =	sshll.u32 s1, $0xD;
	s1 =	sshrl.u32 s1, $0x2  }
0xb9: {  	s3 =	sand.u32 $0x4000, s31;
	s1 =	sadd.s32 s1, s30  }
0xba: {  	s0 =	sor.u32 s3, s0;
	s1 =	sshll.u32 s1, $0x11  }
0xbb: {  	s0 =	sor.u32 s1, s0  }
0xbc: {  	s0 =	sadd.s32 $0x8F2B, s0  }
0xbd: {  	[sflag:s0] =	ssyncadd.remote.s32 $0x1  }
0xbe: {  	_ =	sfence.sel $0xFFFF  }
0xbf: {  	[dreg:$0x0] =	wrdreg $0xFFFFFFFF;
	(pc) =	sbr.abs _section_cstart, $3  }
0xc0: {  	[dreg:$0x1] =	wrdreg $0xFFFFFFFF  }
0xc1: {  	_ =	task.clear_ibuf [dreg:s7], $0x2FFFF;
	_ =	strace $0x9FFFFFFF  }
0xc2: {  	(tm) =	ssettm $0x7FFFFFFF  }
0xc3: {  	_ =	shalt  }
tec
execute0_lowered:
.L_overlay_start_1:
0x0: {  	(tag) =	ssettag $0x1  }
0x1: {  	s0 =	rddreg [dreg:$0x0];
	s1 =	srdreg.scid  }
0x2: {  	s9 =	stileid.u32;
	s6 =	rddreg [dreg:$0x1]  }
0x3: {  	s2 =	simm.s32 $0x0;
	s11 =	simm.s32 $0x5;
	s12 =	simm.s32 $0x64  }
0x4: {  	s13 =	simm.s32 $0x6800;
	s15 =	simm.s32 $0x8100;
	s17 =	simm.s32 $0x9A00  }
0x5: {  	s19 =	simm.s32 $0xB300;
	s20 =	simm.s32 $0x1;
	s22 =	simm.s32 $0xCC00  }
0x6: {  	s29 =	simm.s32 $0x11700;
	s30 =	simm.s32 $0x2;
	s31 =	simm.s32 $0x3  }
0x7: {  	s18 =	simm.s32 $0x4;
	s23 =	simm.s32 $0x66C8;
	s1 =	sand.u32 $0x1, s1  }
0x8: {  	s3 =	sshll.u32 s9, $0x1;
	[smem:$0x7FF] =	sst s2;
	s9 =	smul.u32 $0x64000, s9  }
0x9: {  	s3 =	sor.u32 s1, s3;
	s5 =	ssub.s32 $0x2, s1;
	s1 =	smul.u32 $0x32000, s1  }
0xa: {  	s28 =	simm.s32 $0x6798;
	_ =	strace $0x80000047;
	s4 =	smul.u32 $0xD00, s3  }
0xb: {  	s7 =	smul.u32 $0x32000, s3;
	s8 =	sshrl.u32 s5, $0x1;
	s25 =	sadd.s32 s9, s6  }
0xc: {  	s3 =	sadd.s32 $0x1AA00, s0;
	s24 =	ssub.s32 s5, s8;
	s26 =	sadd.s32 s1, s25  }
0xd: {  	s25 =	simm.s32 $0x6730;
	s1 =	simm.s32 $0x0;
	s4 =	sadd.s32 s4, s0  }
0xe: {  	s5 =	sadd.s32 s6, s7;
	s6 =	smax.u32 s24, $0x1;
	s10 =	sadd.s32 $0x1900, s26  }
0xf: {  	s24 =	simm.s32 $0xE500;
	s26 =	simm.s32 $0xFE00;
	s4 =	sadd.s32 $0xA00, s4  }
0x10: {  	s7 =	sadd.s32 $0xC80, s5;
	s8 =	sadd.s32 $0x30700, s5;
	s9 =	sadd.s32 $0x31380, s5  }
.LBB2_1:
0x11: {  	[tilespmem:s2], [sflag:$0x5] =	stream.linear.gather [hbm4b:s4+s2], $0x6800, $0x38;
	[tilespmem:$0x13000] =	vst v63  }
0x12: {  	_ =	swait.ge [sflag:s11], $0x6800  }
0x13: {  	[sflag:s11] =	ssyncset.done $0x0  }
0x14: {  	[sflag:s11] =	ssyncadd.s32 $0xFFFF9800  }
0x15: {  	[tilespmem:s13], [sflag:$0x1] =	stream.indirect.gather [hbm4b:s3+s12], $0x40, s2, s12, $0xb8;
	[tilespmem:$0x13000] =	vst v63  }
0x16: {  	s0 =	simm.s32 $0x68  }
0x17: {  	[tilespmem:s15], [sflag:$0x1] =	stream.indirect.gather [hbm4b:s3+s12], $0x40, s0, s12, $0xb8;
	[tilespmem:$0x13000] =	vst v63  }
0x18: {  	s14 =	simm.s32 $0xD0  }
0x19: {  	[tilespmem:s17], [sflag:$0x1] =	stream.indirect.gather [hbm4b:s3+s12], $0x40, s14, s12, $0xb8;
	[tilespmem:$0x13000] =	vst v63  }
0x1a: {  	s16 =	simm.s32 $0x138  }
0x1b: {  	[tilespmem:s19], [sflag:$0x1] =	stream.indirect.gather [hbm4b:s3+s12], $0x40, s16, s12, $0xb8;
	[tilespmem:$0x13000] =	vst v63  }
0x1c: {  	_ =	swait.ge [sflag:s20], $0x1900  }
0x1d: {  	[sflag:s20] =	ssyncset.done $0x0  }
0x1e: {  	[sflag:s20] =	ssyncadd.s32 $0xFFFFE700  }
0x1f: {  	_ =	swait.ge [sflag:s20], $0x1900  }
0x20: {  	[sflag:s20] =	ssyncset.done $0x0  }
0x21: {  	[sflag:s20] =	ssyncadd.s32 $0xFFFFE700  }
0x22: {  	_ =	swait.ge [sflag:s20], $0x1900  }
0x23: {  	[sflag:s20] =	ssyncset.done $0x0  }
0x24: {  	[sflag:s20] =	ssyncadd.s32 $0xFFFFE700  }
0x25: {  	_ =	swait.ge [sflag:s20], $0x1900  }
0x26: {  	[sflag:s20] =	ssyncset.done $0x0  }
0x27: {  	s21 =	simm.s32 $0x1A0;
	[sflag:s20] =	ssyncadd.s32 $0xFFFFE700  }
0x28: {  	[tilespmem:s22], [sflag:$0x2] =	stream.indirect.gather [hbm4b:s3+s12], $0x40, s21, s12, $0xb8;
	[tilespmem:$0x13000] =	vst v63  }
0x29: {  	s14 =	simm.s32 $0x208  }
0x2a: {  	[tilespmem:s24], [sflag:$0x2] =	stream.indirect.gather [hbm4b:s3+s12], $0x40, s14, s12, $0xb8;
	[tilespmem:$0x13000] =	vst v63  }
0x2b: {  	s16 =	simm.s32 $0x270  }
0x2c: {  	[tilespmem:s26], [sflag:$0x2] =	stream.indirect.gather [hbm4b:s3+s12], $0x40, s16, s12, $0xb8;
	[tilespmem:$0x13000] =	vst v63  }
0x2d: {  	s21 =	simm.s32 $0x2D8  }
0x2e: {  	[tilespmem:s29], [sflag:$0x2] =	stream.indirect.gather [hbm4b:s3+s12], $0x40, s21, s12, $0xb8;
	[tilespmem:$0x13000] =	vst v63  }
0x2f: {  	_ = 	snop  }
0x30: {  	[hbm4b:s5+s2] =	stream.linear.scatter [tilespmem:s13], [sflag:$0x3], $0x6400, $0x38;
	[tilespmem:$0x13000] =	vst v63  }
0x31: {  	_ =	swait.ge [sflag:s30], $0x1900  }
0x32: {  	[sflag:s30] =	ssyncset.done $0x0  }
0x33: {  	[sflag:s30] =	ssyncadd.s32 $0xFFFFE700  }
0x34: {  	_ =	swait.ge [sflag:s30], $0x1900  }
0x35: {  	[sflag:s30] =	ssyncset.done $0x0  }
0x36: {  	[sflag:s30] =	ssyncadd.s32 $0xFFFFE700  }
0x37: {  	_ =	swait.ge [sflag:s30], $0x1900  }
0x38: {  	[sflag:s30] =	ssyncset.done $0x0  }
0x39: {  	[sflag:s30] =	ssyncadd.s32 $0xFFFFE700  }
0x3a: {  	_ =	swait.ge [sflag:s30], $0x1900  }
0x3b: {  	[sflag:s30] =	ssyncset.done $0x0  }
0x3c: {  	[sflag:s30] =	ssyncadd.s32 $0xFFFFE700  }
0x3d: {  	_ =	swait.ge [sflag:s31], $0x6400  }
0x3e: {  	[sflag:s31] =	ssyncset.done $0x0  }
0x3f: {  	s14 =	simm.s32 $0x340;
	[sflag:s31] =	ssyncadd.s32 $0xFFFF9C00  }
0x40: {  	[tilespmem:s13], [sflag:$0x1] =	stream.indirect.gather [hbm4b:s3+s12], $0x40, s14, s12, $0xb8;
	[tilespmem:$0x13000] =	vst v63  }
0x41: {  	s16 =	simm.s32 $0x3A8  }
0x42: {  	[tilespmem:s15], [sflag:$0x1] =	stream.indirect.gather [hbm4b:s3+s12], $0x40, s16, s12, $0xb8;
	[tilespmem:$0x13000] =	vst v63  }
0x43: {  	s21 =	simm.s32 $0x410  }
0x44: {  	[tilespmem:s17], [sflag:$0x1] =	stream.indirect.gather [hbm4b:s3+s12], $0x40, s21, s12, $0xb8;
	[tilespmem:$0x13000] =	vst v63  }
0x45: {  	s14 =	simm.s32 $0x478  }
0x46: {  	[tilespmem:s19], [sflag:$0x1] =	stream.indirect.gather [hbm4b:s3+s12], $0x40, s14, s12, $0xb8;
	[tilespmem:$0x13000] =	vst v63  }
0x47: {  	_ = 	snop  }
0x48: {  	[hbm4b:s7+s2] =	stream.linear.scatter [tilespmem:s22], [sflag:$0x4], $0x6400, $0x38;
	[tilespmem:$0x13000] =	vst v63  }
0x49: {  	_ =	swait.ge [sflag:s20], $0x1900  }
0x4a: {  	[sflag:s20] =	ssyncset.done $0x0  }
0x4b: {  	[sflag:s20] =	ssyncadd.s32 $0xFFFFE700  }
0x4c: {  	_ =	swait.ge [sflag:s20], $0x1900  }
0x4d: {  	[sflag:s20] =	ssyncset.done $0x0  }
0x4e: {  	[sflag:s20] =	ssyncadd.s32 $0xFFFFE700  }
0x4f: {  	_ =	swait.ge [sflag:s20], $0x1900  }
0x50: {  	[sflag:s20] =	ssyncset.done $0x0  }
0x51: {  	[sflag:s20] =	ssyncadd.s32 $0xFFFFE700  }
0x52: {  	_ =	swait.ge [sflag:s20], $0x1900  }
0x53: {  	[sflag:s20] =	ssyncset.done $0x0  }
0x54: {  	[sflag:s20] =	ssyncadd.s32 $0xFFFFE700  }
0x55: {  	_ =	swait.ge [sflag:s18], $0x6400  }
0x56: {  	[sflag:s18] =	ssyncset.done $0x0  }
0x57: {  	s16 =	simm.s32 $0x4E0;
	[sflag:s18] =	ssyncadd.s32 $0xFFFF9C00  }
0x58: {  	[tilespmem:s22], [sflag:$0x2] =	stream.indirect.gather [hbm4b:s3+s12], $0x40, s16, s12, $0xb8;
	[tilespmem:$0x13000] =	vst v63  }
0x59: {  	s21 =	simm.s32 $0x548  }
0x5a: {  	[tilespmem:s24], [sflag:$0x2] =	stream.indirect.gather [hbm4b:s3+s12], $0x40, s21, s12, $0xb8;
	[tilespmem:$0x13000] =	vst v63  }
0x5b: {  	s14 =	simm.s32 $0x5B0  }
0x5c: {  	[tilespmem:s26], [sflag:$0x2] =	stream.indirect.gather [hbm4b:s3+s12], $0x40, s14, s12, $0xb8;
	[tilespmem:$0x13000] =	vst v63  }
0x5d: {  	s16 =	simm.s32 $0x618  }
0x5e: {  	[tilespmem:s29], [sflag:$0x2] =	stream.indirect.gather [hbm4b:s3+s12], $0x40, s16, s12, $0xb8;
	[tilespmem:$0x13000] =	vst v63  }
0x5f: {  	_ = 	snop  }
0x60: {  	[hbm4b:s10+s2] =	stream.linear.scatter [tilespmem:s13], [sflag:$0x3], $0x6400, $0x38;
	[tilespmem:$0x13000] =	vst v63  }
0x61: {  	_ =	swait.ge [sflag:s30], $0x1900  }
0x62: {  	[sflag:s30] =	ssyncset.done $0x0  }
0x63: {  	[sflag:s30] =	ssyncadd.s32 $0xFFFFE700  }
0x64: {  	_ =	swait.ge [sflag:s30], $0x1900  }
0x65: {  	[sflag:s30] =	ssyncset.done $0x0  }
0x66: {  	[sflag:s30] =	ssyncadd.s32 $0xFFFFE700  }
0x67: {  	_ =	swait.ge [sflag:s30], $0x1900  }
0x68: {  	[sflag:s30] =	ssyncset.done $0x0  }
0x69: {  	[sflag:s30] =	ssyncadd.s32 $0xFFFFE700  }
0x6a: {  	_ =	swait.ge [sflag:s30], $0x1900  }
0x6b: {  	[sflag:s30] =	ssyncset.done $0x0  }
0x6c: {  	[sflag:s30] =	ssyncadd.s32 $0xFFFFE700  }
0x6d: {  	_ =	swait.ge [sflag:s31], $0x6400  }
0x6e: {  	[sflag:s31] =	ssyncset.done $0x0  }
0x6f: {  	s21 =	simm.s32 $0x680;
	[sflag:s31] =	ssyncadd.s32 $0xFFFF9C00  }
0x70: {  	[tilespmem:s13], [sflag:$0x1] =	stream.indirect.gather [hbm4b:s3+s12], $0x40, s21, s12, $0xb8;
	[tilespmem:$0x13000] =	vst v63  }
0x71: {  	s14 =	simm.s32 $0x6E8  }
0x72: {  	[tilespmem:s15], [sflag:$0x1] =	stream.indirect.gather [hbm4b:s3+s12], $0x40, s14, s12, $0xb8;
	[tilespmem:$0x13000] =	vst v63  }
0x73: {  	s0 =	simm.s32 $0xD00;
	s16 =	simm.s32 $0x750  }
0x74: {  	[tilespmem:s17], [sflag:$0x1] =	stream.indirect.gather [hbm4b:s3+s12], $0x40, s16, s12, $0xb8;
	[tilespmem:$0x13000] =	vst v63  }
0x75: {  	s21 =	simm.s32 $0x7B8;
	s14 =	sadd.s32 $0x1900, s10;
	s16 =	sadd.s32 $0xC80, s10  }
0x76: {  	[tilespmem:s19], [sflag:$0x1] =	stream.indirect.gather [hbm4b:s3+s12], $0x40, s21, s12, $0xb8;
	[tilespmem:$0x13000] =	vst v63  }
.LBB2_2:
0x77: {  	[hbm4b:s16+s2] =	stream.linear.scatter [tilespmem:s22], [sflag:$0x4], $0x6400, $0x38;
	[tilespmem:$0x13000] =	vst v63  }
0x78: {  	s16 =	smov.u32 s0  }
0x79: {  	p0 =	sne.s32 s0, $0x17900;
	s0 =	sadd.s32 $0xD00, s0;
	_ =	swait.ge [sflag:s20], $0x1900  }
0x7a: {  	[sflag:s20] =	ssyncset.done $0x0  }
0x7b: {  	[sflag:s20] =	ssyncadd.s32 $0xFFFFE700  }
0x7c: {  	_ =	swait.ge [sflag:s20], $0x1900  }
0x7d: {  	[sflag:s20] =	ssyncset.done $0x0  }
0x7e: {  	[sflag:s20] =	ssyncadd.s32 $0xFFFFE700  }
0x7f: {  	_ =	swait.ge [sflag:s20], $0x1900  }
0x80: {  	[sflag:s20] =	ssyncset.done $0x0  }
0x81: {  	[sflag:s20] =	ssyncadd.s32 $0xFFFFE700  }
0x82: {  	_ =	swait.ge [sflag:s20], $0x1900  }
0x83: {  	[sflag:s20] =	ssyncset.done $0x0  }
0x84: {  	[sflag:s20] =	ssyncadd.s32 $0xFFFFE700  }
0x85: {  	_ =	swait.ge [sflag:s18], $0x6400  }
0x86: {  	s16 =	sshra.s32 s16, $0x2;
	[sflag:s18] =	ssyncset.done $0x0  }
0x87: {  	s21 =	sadd.s32 $0x4E0, s16;
	[sflag:s18] =	ssyncadd.s32 $0xFFFF9C00  }
0x88: {  	[tilespmem:s22], [sflag:$0x2] =	stream.indirect.gather [hbm4b:s3+s12], $0x40, s21, s12, $0xb8;
	[tilespmem:$0x13000] =	vst v63  }
0x89: {  	s21 =	sadd.s32 $0x548, s16  }
0x8a: {  	[tilespmem:s24], [sflag:$0x2] =	stream.indirect.gather [hbm4b:s3+s12], $0x40, s21, s12, $0xb8;
	[tilespmem:$0x13000] =	vst v63  }
0x8b: {  	s21 =	sadd.s32 $0x5B0, s16  }
0x8c: {  	[tilespmem:s26], [sflag:$0x2] =	stream.indirect.gather [hbm4b:s3+s12], $0x40, s21, s12, $0xb8;
	[tilespmem:$0x13000] =	vst v63  }
0x8d: {  	s21 =	sadd.s32 $0x618, s16  }
0x8e: {  	[tilespmem:s29], [sflag:$0x2] =	stream.indirect.gather [hbm4b:s3+s12], $0x40, s21, s12, $0xb8;
	[tilespmem:$0x13000] =	vst v63  }
0x8f: {  	_ = 	snop  }
0x90: {  	[hbm4b:s14+s2] =	stream.linear.scatter [tilespmem:s13], [sflag:$0x3], $0x6400, $0x38;
	[tilespmem:$0x13000] =	vst v63  }
0x91: {  	_ =	swait.ge [sflag:s30], $0x1900  }
0x92: {  	[sflag:s30] =	ssyncset.done $0x0  }
0x93: {  	[sflag:s30] =	ssyncadd.s32 $0xFFFFE700  }
0x94: {  	_ =	swait.ge [sflag:s30], $0x1900  }
0x95: {  	[sflag:s30] =	ssyncset.done $0x0  }
0x96: {  	[sflag:s30] =	ssyncadd.s32 $0xFFFFE700  }
0x97: {  	_ =	swait.ge [sflag:s30], $0x1900  }
0x98: {  	[sflag:s30] =	ssyncset.done $0x0  }
0x99: {  	[sflag:s30] =	ssyncadd.s32 $0xFFFFE700  }
0x9a: {  	_ =	swait.ge [sflag:s30], $0x1900  }
0x9b: {  	[sflag:s30] =	ssyncset.done $0x0  }
0x9c: {  	[sflag:s30] =	ssyncadd.s32 $0xFFFFE700  }
0x9d: {  	_ =	swait.ge [sflag:s31], $0x6400  }
0x9e: {  	[sflag:s31] =	ssyncset.done $0x0  }
0x9f: {  	s21 =	sadd.s32 $0x680, s16;
	[sflag:s31] =	ssyncadd.s32 $0xFFFF9C00  }
0xa0: {  	[tilespmem:s13], [sflag:$0x1] =	stream.indirect.gather [hbm4b:s3+s12], $0x40, s21, s12, $0xb8;
	[tilespmem:$0x13000] =	vst v63  }
0xa1: {  	s21 =	sadd.s32 $0x6E8, s16  }
0xa2: {  	[tilespmem:s15], [sflag:$0x1] =	stream.indirect.gather [hbm4b:s3+s12], $0x40, s21, s12, $0xb8;
	[tilespmem:$0x13000] =	vst v63  }
.Ltmp0:
0xa3: {  	s21 =	sadd.s32 $0x750, s16;
	(pc) =	sbr.rel @p0 .LBB2_2-.Ltmp0, $4  }
0xa4: {  	[tilespmem:s17], [sflag:$0x1] =	stream.indirect.gather [hbm4b:s3+s12], $0x40, s21, s12, $0xb8;
	[tilespmem:$0x13000] =	vst v63  }
0xa5: {  	s16 =	sadd.s32 $0x7B8, s16  }
0xa6: {  	[tilespmem:s19], [sflag:$0x1] =	stream.indirect.gather [hbm4b:s3+s12], $0x40, s16, s12, $0xb8;
	[tilespmem:$0x13000] =	vst v63  }
0xa7: {  	s16 =	sadd.s32 $0xC80, s14;
	s14 =	sadd.s32 $0x1900, s14  }
0xa8: {  	[hbm4b:s16+s2] =	stream.linear.scatter [tilespmem:s22], [sflag:$0x4], $0x6400, $0x38;
	[tilespmem:$0x13000] =	vst v63  }
0xa9: {  	_ =	swait.ge [sflag:s20], $0x1900  }
0xaa: {  	[sflag:s20] =	ssyncset.done $0x0  }
0xab: {  	[sflag:s20] =	ssyncadd.s32 $0xFFFFE700  }
0xac: {  	_ =	swait.ge [sflag:s20], $0x1900  }
0xad: {  	[sflag:s20] =	ssyncset.done $0x0  }
0xae: {  	[sflag:s20] =	ssyncadd.s32 $0xFFFFE700  }
0xaf: {  	_ =	swait.ge [sflag:s20], $0x1900  }
0xb0: {  	[sflag:s20] =	ssyncset.done $0x0  }
0xb1: {  	[sflag:s20] =	ssyncadd.s32 $0xFFFFE700  }
0xb2: {  	_ =	swait.ge [sflag:s20], $0x1900  }
0xb3: {  	[sflag:s20] =	ssyncset.done $0x0  }
0xb4: {  	[sflag:s20] =	ssyncadd.s32 $0xFFFFE700  }
0xb5: {  	_ =	swait.ge [sflag:s18], $0x6400  }
0xb6: {  	[sflag:s18] =	ssyncset.done $0x0  }
0xb7: {  	s0 =	simm.s32 $0x6660;
	[sflag:s18] =	ssyncadd.s32 $0xFFFF9C00  }
0xb8: {  	[tilespmem:s22], [sflag:$0x2] =	stream.indirect.gather [hbm4b:s3+s12], $0x40, s0, s12, $0xb8;
	[tilespmem:$0x13000] =	vst v63  }
0xb9: {  	_ = 	snop  }
0xba: {  	[tilespmem:s24], [sflag:$0x2] =	stream.indirect.gather [hbm4b:s3+s12], $0x40, s23, s12, $0xb8;
	[tilespmem:$0x13000] =	vst v63  }
0xbb: {  	_ = 	snop  }
0xbc: {  	[tilespmem:s26], [sflag:$0x2] =	stream.indirect.gather [hbm4b:s3+s12], $0x40, s25, s12, $0xb8;
	[tilespmem:$0x13000] =	vst v63  }
0xbd: {  	_ = 	snop  }
0xbe: {  	[tilespmem:s29], [sflag:$0x2] =	stream.indirect.gather [hbm4b:s3+s12], $0x40, s28, s12, $0xb8;
	[tilespmem:$0x13000] =	vst v63  }
0xbf: {  	_ = 	snop  }
0xc0: {  	[hbm4b:s8+s2] =	stream.linear.scatter [tilespmem:s13], [sflag:$0x3], $0x6400, $0x38;
	[tilespmem:$0x13000] =	vst v63  }
0xc1: {  	_ =	swait.ge [sflag:s30], $0x1900  }
0xc2: {  	[sflag:s30] =	ssyncset.done $0x0  }
0xc3: {  	[sflag:s30] =	ssyncadd.s32 $0xFFFFE700  }
0xc4: {  	_ =	swait.ge [sflag:s30], $0x1900  }
0xc5: {  	[sflag:s30] =	ssyncset.done $0x0  }
0xc6: {  	[sflag:s30] =	ssyncadd.s32 $0xFFFFE700  }
0xc7: {  	_ =	swait.ge [sflag:s30], $0x1900  }
0xc8: {  	[sflag:s30] =	ssyncset.done $0x0  }
0xc9: {  	[sflag:s30] =	ssyncadd.s32 $0xFFFFE700  }
0xca: {  	_ =	swait.ge [sflag:s30], $0x1900  }
0xcb: {  	[sflag:s30] =	ssyncset.done $0x0  }
0xcc: {  	[sflag:s30] =	ssyncadd.s32 $0xFFFFE700  }
0xcd: {  	s1 =	sadd.s32 $0x1, s1;
	_ =	swait.ge [sflag:s31], $0x6400  }
0xce: {  	p0 =	sne.s32 s1, s6;
	[sflag:s31] =	ssyncset.done $0x0  }
.Ltmp1:
0xcf: {  	[sflag:s31] =	ssyncadd.s32 $0xFFFF9C00;
	(pc) =	sbr.rel @p0 .LBB2_1-.Ltmp1, $4  }
0xd0: {  	[hbm4b:s9+s2] =	stream.linear.scatter [tilespmem:s22], [sflag:$0x4], $0x6400, $0x38;
	[tilespmem:$0x13000] =	vst v63  }
0xd1: {  	_ =	swait.ge [sflag:s18], $0x6400  }
0xd2: {  	[sflag:s18] =	ssyncset.done $0x0  }
0xd3: {  	[sflag:s18] =	ssyncadd.s32 $0xFFFF9C00  }
0xd4: {  	_ =	sfence.sel $0x180000  }
0xd5: {  	[bflag:$0x0] =	sbarrier.arrive $0xFFFF  }
0xd6: {  	_ =	strace $0x90000047  }
0xd7: {  	s0 =	stileid.u32;
	[bflag:$0x2] =	sbarrier.arrive $0xFFFF  }
0xd8: {  	p0 =	sne.s32 s0, $0x0;
	s0 =	rddreg [dreg:$0x2]  }
0xd9: {  	s0 =	sadd.s32 @!p0 $0x100000, s0  }
0xda: {  	[sflag:s0] =	ssyncadd.tile.s32 @!p0 $0x1;
	_ =	shalt  }
.Lfunc_end2:
_tile_overlayer_lowered:
.L_overlay_start_2:
0xdb: {  	(tag) =	ssettag $0x2  }
0xdc: {  	s0 =	rddreg [dreg:$0x0];
	s2 =	stileid.u32  }
0xdd: {  	s1 =	rddreg [dreg:$0x1];
	p0 =	sne.s32 s2, $0x0  }
0xde: {  	s3 =	rddreg [dreg:$0x2];
	[bflag:$0x3] =	sbarrier.arrive $0xFFFF;
	s2 =	simm.s32 @!p0 $0x1C05  }
0xdf: {  	[timem:s3], [sflag:s2] =	dma.local @!p0 [hbm:s0], s1  }
0xe0: {  	s0 =	simm.s32 @!p0 $0x5  }
0xe1: {  	_ =	swait.ge @!p0 [sflag:s0], s1  }
0xe2: {  	s1 =	ssub.s32 @!p0 $0x0, s1;
	[sflag:s0] =	ssyncset.done @!p0 $0x0  }
0xe3: {  	[sflag:s0] =	ssyncadd.s32 @!p0 s1  }
0xe4: {  	[bflag:$0x3] =	sbarrier.arrive $0xFFFF  }
0xe5: {  	_ =	shalt  }

// kernel: sparse-core-data-format-call.cloned.1.call-start
scs
called_computation_lowered:
.L_overlay_start_0:
0x0: {  	s2 =	sld [smem:$0x3FD9]  }
0x1: {  	s3 =	sld [smem:$0x3FFE];
	_ =	sdelay $0x1  }
0x2: {  	s1 =	srdreg.scid  }
0x3: {  	s0 =	sand.u32 $0x1, s1  }
0x4: {  	s18 =	sshll.u32 s0, $0xA;
	s2 =	sadd.s32 s3, s2  }
0x5: {  	s2 =	sadd.s32 s2, s18  }
0x6: {  	[smem:$0x3FC6] =	sst s2  }
0x7: {  	_ = 	snop  }
0x8: {  	s2 =	sld [smem:$0x3FD0];
	(tm) =	ssettm $0x1  }
0x9: {  	s19 =	sld [smem:$0x3FFB];
	_ =	sdelay $0x3  }
0xa: {  	_ =	strace s19  }
0xb: {  	s3 =	sld [smem:$0x3FFC];
	_ =	sdelay $0x3  }
0xc: {  	_ =	strace s3  }
0xd: {  	s3 =	sld [smem:$0x3FFD];
	_ =	sdelay $0x3  }
0xe: {  	_ =	strace s3  }
0xf: {  	_ =	strace $0x8FFFFFFF  }
0x10: {  	s20 =	sld [smem:$0x3FDB];
	_ =	sdelay $0x1  }
0x11: {  	s4 =	simm.s32 $_scs_section_size  }
0x12: {  	s5 =	simm.s32 $_size__tile_overlayer_lowered;
	s6 =	simm.s32 $_tile_overlayer_lowered  }
0x13: {  	s23 =	simm.s32 $0x1BFF;
	s22 =	sshll.u32 s6, $0x1;
	s3 =	sadd.s32 s4, s20  }
0x14: {  	s7 =	simm.s32 $0x0;
	s21 =	sshll.u32 s5, $0x1;
	s5 =	sadd.s32 s22, s3  }
0x15: {  	[timem:s7], [sflag:s23] =	dma.local [hbm:s5], s21  }
0x16: {  	_ =	swait.ge [sflag:s23], s21  }
0x17: {  	s4 =	ssub.s32 $0x0, s21;
	[sflag:s23] =	ssyncset.done $0x0  }
0x18: {  	[sflag:s23] =	ssyncadd.s32 s4;
	_ =	sdelay $0x1  }
0x19: {  	s24 =	simm.s32 $0x1B8B  }
0x1a: {  	_ =	swait.ge [sflag:s24], $0x1  }
0x1b: {  	[sflag:s24] =	ssyncset.done $0x0  }
0x1c: {  	s26 =	simm.s32 $0x1B8E;
	s25 =	sld [smem:$0x3FFE];
	[sflag:s24] =	ssyncadd.s32 $0xFFFFFFFF  }
0x1d: {  	s27 =	simm.s32 $execute0_lowered;
	[smem:$0x3FD2] =	sst s26  }
0x1e: {  	s5 =	sshll.u32 s27, $0x1;
	_ =	strace $0x80000049;
	[dreg:$0x1] =	wrdreg $0xFFFFFFFF  }
0x1f: {  	s28 =	simm.s32 $_size_execute0_lowered;
	s3 =	sadd.s32 s3, s5;
	[dreg:$0x0] =	wrdreg $0x0  }
0x20: {  	s5 =	sshll.u32 s28, $0x1;
	[dreg:$0x2] =	wrdreg s3  }
0x21: {  	[dreg:$0x3] =	wrdreg s5  }
0x22: {  	[dreg:$0x4] =	wrdreg $0xC0  }
0x23: {  	_ =	task [dreg:s7], $0x5FFFF  }
0x24: {  	[dreg:$0x1] =	wrdreg $0xFFFFFFFF  }
0x25: {  	[dreg:$0x0] =	wrdreg $0x60  }
0x26: {  	[dreg:$0x2] =	wrdreg s25  }
0x27: {  	[dreg:$0x3] =	wrdreg s2  }
0x28: {  	[dreg:$0x4] =	wrdreg $0x9  }
0x29: {  	_ =	task.clear_ibuf [dreg:s7], $0x5FFFF;
	_ =	strace $0x90000049  }
0x2a: {  	s29 =	simm.s32 $0x9;
	_ =	strace $0x8000004B  }
0x2b: {  	_ =	swait.ge [sflag:s29], $0x1  }
0x2c: {  	[sflag:s29] =	ssyncadd.s32 $0xFFFFFFFF  }
0x2d: {  	_ =	strace $0x9000004B  }
0x2e: {  	_ =	sfence  }
0x2f: {  	s30 =	sld [smem:$0x0];
	_ =	sdelay $0x2  }
0x30: {  	s31 =	sshll.u32 s1, $0xD;
	s1 =	sshrl.u32 s1, $0x2  }
0x31: {  	s3 =	sand.u32 $0x4000, s31;
	s1 =	sadd.s32 s1, s30  }
0x32: {  	s0 =	sor.u32 s3, s0;
	s1 =	sshll.u32 s1, $0x11  }
0x33: {  	s0 =	sor.u32 s1, s0  }
0x34: {  	s0 =	sadd.s32 $0x8F2B, s0  }
0x35: {  	[sflag:s0] =	ssyncadd.remote.s32 $0x1  }
0x36: {  	_ =	sfence.sel $0xFFFF  }
0x37: {  	[dreg:$0x0] =	wrdreg $0xFFFFFFFF;
	(pc) =	sbr.abs _section_cstart, $3  }
0x38: {  	[dreg:$0x1] =	wrdreg $0xFFFFFFFF  }
0x39: {  	_ =	task.clear_ibuf [dreg:s7], $0x2FFFF;
	_ =	strace $0x9FFFFFFF  }
0x3a: {  	(tm) =	ssettm $0x7FFFFFFF  }
0x3b: {  	_ =	shalt  }
tec
execute0_lowered:
.L_overlay_start_1:
0x0: {  	(tag) =	ssettag $0x1  }
0x1: {  	s0 =	srdreg.scid  }
0x2: {  	s1 =	sshll.u32 s0, $0x4  }
0x3: {  	s0 =	stileid.u32;
	s1 =	sand.u32 $0x10, s1  }
0x4: {  	s1 =	sor.u32 s0, s1  }
0x5: {  	s6 =	rddreg [dreg:$0x0];
	s4 =	simm.s32 $0x1;
	s2 =	sshll.u32 s1, $0x7  }
0x6: {  	s7 =	simm.s32 $0x2;
	s12 =	simm.s32 $0x0;
	s1 =	ssub.s32 $0x1000, s2  }
0x7: {  	s8 =	simm.s32 $0x8000;
	s13 =	simm.s32 $0x0;
	s3 =	sand.u32 $0xF80, s1  }
0x8: {  	s9 =	simm.s32 $0x0;
	s5 =	sshrl.u32 s1, $0xC;
	p0 =	sne.s32 s3, $0x0  }
.Ltmp0:
0x9: {  	s1 =	rddreg [dreg:$0x2];
	s4 =	simm.s32 @!p0 $0x0;
	(pc) =	sbr.rel .LBB1_1-.Ltmp0, $4  }
0xa: {  	s11 =	simm.s32 $0x0;
	s3 =	rddreg [dreg:$0x1];
	s5 =	sadd.s32 s4, s5  }
0xb: {  	_ =	strace $0x8000004A;
	s4 =	simm.s32 $0x1;
	s5 =	smul.u32 $0xC8, s5  }
0xc: {  	s6 =	sadd.s32 $0xA00, s6;
	s10 =	smov.u32 s2;
	[sflag:s4] =	ssyncpa.u1 $0x0  }
0xd: {  	p0 =	por $0x0, $0x0;
	[sflag:s7] =	ssyncpa.u1 $0x0;
	s7 =	sor.u32 $0x1, s5  }
.LBB1_4:
0xe: {  	s16 =	sshll.u32 s13, $0x3;
	s17 =	sand.u32 $0x78, s13  }
0xf: {  	s30 =	sand.u32 $0x7E00, s13;
	s12 =	sshll.u32 s12, $0xF;
	s16 =	sand.u32 $0xC00, s16  }
0x10: {  	[tilespmem:s15+$0x810 ss:$0x81] =	vst.msk $0xffff, v2;
	s31 =	sand.u32 $0x7, s13;
	s16 =	sor.u32 s17, s16;
	s17 =	sadd.s32 s3, s30  }
0x11: {  	[tilespmem:s15+$0x1020 ss:$0x81] =	vst.msk $0xffff, v0;
	s13 =	sshll.u32 s31, $0x12;
	s12 =	sadd.s32 s12, s17;
	s16 =	sshrl.u32 s16, $0x3  }
0x12: {  	[tilespmem:s15+$0x0 ss:$0x81] =	vst.msk $0xffff, v1;
	s13 =	sor.u32 $0x400, s13;
	s12 =	sadd.s32 s16, s12  }
0x13: {  	[hbm4b:s12+s13] =	stream.strided.scatter [tilespmem:s14], [sflag:$0x2], $0x2000, s8, s13, $0x20;
	[tilespmem:$0x8080] =	vst v63  }
.LBB1_5:
0x14: {  	s14 =	sadd.s32 $0x1, s9  }
0x15: {  	s12 =	sadd.s32 $0x1000, s10;
	s16 =	smov.u32 s10;
	p2 =	sgt.s32 s14, $0xC7  }
0x16: {  	s16 =	smov.u32 @p2 s12  }
0x17: {  	s14 =	simm.s32 @p2 $0x0;
	p2 =	sgt.s32 s16, $0xFFF  }
0x18: {  	s16 =	smov.u32 @p2 s2;
	p2 =	sne.s32 s11, s7  }
.Ltmp1:
0x19: {  	p1 =	slt.u32 s11, $0x2;
	(pc) =	sbr.rel @!p2 .LBB1_6-.Ltmp1, $4  }
0x1a: {  	s15 =	simm.s32 @!p1 $0x2  }
0x1b: {  	s13 =	smov.u32 s10;
	p0 =	por !p0, !p0;
	_ =	swait.ge @!p1 [sflag:s15], $0x2000  }
0x1c: {  	s12 =	smov.u32 s9;
	[sflag:s15] =	ssyncset.done @!p1 $0x0;
	s9 =	smov.u32 s14  }
0x1d: {  	s11 =	sadd.s32 $0x1, s11;
	[sflag:s15] =	ssyncadd.s32 @!p1 $0xFFFFE000;
	s10 =	smov.u32 s16  }
.LBB1_1:
0x1e: {  	p1 =	sge.u32 s11, s5  }
0x1f: {  	s14 =	sand.u32 @!p1 $0x1FFFFFF, s9  }
0x20: {  	s15 =	smulhi.u32 @!p1 $0x147AE15, s14;
	_ =	sdelay $0x1  }
0x21: {  	s15 =	smul.u32 @!p1 $0xC8, s15  }
0x22: {  	s16 =	sxor.u32 @!p1 $0xFFFFFFFF, s11;
	s17 =	smul.u32 @!p1 $0xC80, s10  }
0x23: {  	s31 =	sadd.s32 $0xFFFFFFFF, s11;
	s16 =	sshll.u32 @!p1 s16, $0xD;
	s14 =	ssub.s32 @!p1 s14, s15  }
0x24: {  	s15 =	sand.u32 @!p1 $0x2000, s16;
	s16 =	sadd.s32 @!p1 s6, s17;
	s14 =	sshll.u32 @!p1 s14, $0x4  }
0x25: {  	s17 =	simm.s32 @!p1 $0x6400;
	s14 =	sadd.s32 @!p1 s14, s16;
	s16 =	simm.s32 @!p1 $0x40  }
0x26: {  	[tilespmem:s15], [sflag:$0x1] =	stream.strided.gather @!p1 [hbm4b:s14+s16], $0x2000, s17, s16, $0x38;
	[tilespmem:$0x8080] =	vst v63  }
0x27: {  	p1 =	sge.u32 s31, s5  }
.Ltmp2:
0x28: {  	_ = 	snop;
	(pc) =	sbr.rel @p1 .LBB1_5-.Ltmp2, $1  }
0x29: {  	_ =	sdelay $0x3  }
0x2a: {  	s14 =	simm.s32 $0x1  }
0x2b: {  	_ =	swait.ge [sflag:s4], $0x2000;
	s14 =	simm.s32 @!p0 $0x0  }
0x2c: {  	[sflag:s4] =	ssyncset.done $0x0;
	s15 =	sshll.u32 s14, $0xD  }
0x2d: {  	[sflag:s4] =	ssyncadd.s32 $0xFFFFE000;
	s18 =	sor.u32 $0x20, s15  }
0x2e: {  	s14 =	smul.u32 $0x8100, s14;
	v3 =	vld [tilespmem:s18+$0x10]  }
0x2f: {  	s30 =	sand.u32 $0x1, s11;
	v2 =	vld [tilespmem:s18+$0xFFFFFFF0]  }
0x30: {  	s15 =	smul.u32 $0x8100, s30;
	s14 =	sshrl.u32 s14, $0x2;
	v0 =	vld [tilespmem:s18+$0x0]  }
0x31: {  	v1 =	vld [tilespmem:s18+$0xFFFFFFE0];
	s16 =	sor.u32 $0x4000, s14  }
0x32: {  	s31 =	sshrl.u32 s15, $0x2;
	s15 =	sadd.s32 $0x0, s16  }
0x33: {  	s17 =	simm.s32 $0x4;
	s18 =	sadd.s32 $0x40, s18;
	s14 =	sor.u32 $0x4000, s31;
	[tilespmem:s15+$0x1830 ss:$0x81] =	vst.msk $0xffff, v3  }
.LBB1_3:
0x34: {  	v3 =	vld [tilespmem:s18+$0x10];
	p1 =	sne.s32 s17, $0x1FC;
	[tilespmem:s15+$0x810 ss:$0x81] =	vst.msk $0xffff, v2;
	s19 =	smov.u32 s17;
	s17 =	sadd.s32 $0x4, s17  }
.Ltmp3:
0x35: {  	v2 =	vld [tilespmem:s18+$0xFFFFFFF0];
	[tilespmem:s15+$0x1020 ss:$0x81] =	vst.msk $0xffff, v0;
	(pc) =	sbr.rel @p1 .LBB1_3-.Ltmp3, $4  }
0x36: {  	v0 =	vld [tilespmem:s18+$0x0];
	[tilespmem:s15+$0x0 ss:$0x81] =	vst.msk $0xffff, v1  }
0x37: {  	s15 =	sshra.s32 s19, $0x2;
	v1 =	vld [tilespmem:s18+$0xFFFFFFE0]  }
0x38: {  	s15 =	sadd.s32 s15, s16  }
0x39: {  	s18 =	sadd.s32 $0x40, s18;
	[tilespmem:s15+$0x1830 ss:$0x81] =	vst.msk $0xffff, v3  }
.Ltmp4:
0x3a: {  	_ = 	snop;
	(pc) =	sbr.rel .LBB1_4-.Ltmp4, $1  }
0x3b: {  	_ =	sdelay $0x3  }
.LBB1_6:
0x3c: {  	_ =	sfence.sel $0x180000  }
0x3d: {  	s2 =	simm.s32 $0x1;
	[bflag:$0x0] =	sbarrier.arrive $0xFFFF  }
0x3e: {  	s31 =	simm.s32 $0x2;
	[sflag:s2] =	ssyncpa.u1 $0x1  }
0x3f: {  	[sflag:s31] =	ssyncpa.u1 $0x1  }
0x40: {  	p0 =	sne.s32 s0, $0x0;
	_ =	strace $0x9000004A  }
0x41: {  	s0 =	sadd.s32 @!p0 $0x100000, s1;
	[bflag:$0x2] =	sbarrier.arrive $0xFFFF  }
0x42: {  	[sflag:s0] =	ssyncadd.tile.s32 @!p0 $0x1;
	_ =	shalt  }
.Lfunc_end1:
_tile_overlayer_lowered:
.L_overlay_start_2:
0x43: {  	(tag) =	ssettag $0x2  }
0x44: {  	s0 =	rddreg [dreg:$0x0];
	s2 =	stileid.u32  }
0x45: {  	s1 =	rddreg [dreg:$0x1];
	p0 =	sne.s32 s2, $0x0  }
0x46: {  	s3 =	rddreg [dreg:$0x2];
	[bflag:$0x3] =	sbarrier.arrive $0xFFFF;
	s2 =	simm.s32 @!p0 $0x1C01  }
0x47: {  	[timem:s3], [sflag:s2] =	dma.local @!p0 [hbm:s0], s1  }
0x48: {  	s0 =	simm.s32 @!p0 $0x1  }
0x49: {  	_ =	swait.ge @!p0 [sflag:s0], s1  }
0x4a: {  	s1 =	ssub.s32 @!p0 $0x0, s1;
	[sflag:s0] =	ssyncset.done @!p0 $0x0  }
0x4b: {  	[sflag:s0] =	ssyncadd.s32 @!p0 s1  }
0x4c: {  	[bflag:$0x3] =	sbarrier.arrive $0xFFFF  }
0x4d: {  	_ =	shalt  }

</sc_bundles>
